<compile_context>
chip_gen: v7x
topology: tpu7x:2x2x1
jax: 0.10.2.dev20260603
libtpu: 0.0.44.dev20260713+nightly
codegen_flags: <defaults>
</compile_context>

<pallas_src>
import functools

import jax
import jax.numpy as jnp
from jax import lax
from jax.experimental import pallas as pl
from jax.experimental.pallas import tpu as pltpu
from jax.experimental.pallas import tpu_sc as plsc

N = 10000
E = 320000
S = 10000
D = 128
H = 8
DH = 16
HID = 256
NPAD = 10240
CW = 128

NC = 2
NS = 16
NW = NC * NS
CHUNK = 128

_mesh = plsc.VectorSubcoreMesh(core_axis_name="c", subcore_axis_name="s")


def _sc_gather(table, idx, d):
    b = idx.shape[0]
    per_w = b // NW
    n_full = per_w // CHUNK
    rem = per_w % CHUNK

    scratch = [
        pltpu.VMEM((CHUNK,), jnp.int32),
        pltpu.VMEM((CHUNK, d), jnp.float32),
        pltpu.SemaphoreType.DMA,
    ]
    if rem:
        scratch += [
            pltpu.VMEM((rem,), jnp.int32),
            pltpu.VMEM((rem, d), jnp.float32),
        ]

    @functools.partial(
        pl.kernel,
        mesh=_mesh,
        out_type=jax.ShapeDtypeStruct((b, d), jnp.float32),
        scratch_types=scratch,
    )
    def gk(table_hbm, idx_hbm, out_hbm, idx_v, rows_v, sem, *tail):
        wid = lax.axis_index("s") * NC + lax.axis_index("c")
        base = wid * per_w

        def body(j, carry):
            off = base + j * CHUNK
            pltpu.sync_copy(idx_hbm.at[pl.ds(off, CHUNK)], idx_v)
            pltpu.async_copy(table_hbm.at[idx_v], rows_v, sem).wait()
            pltpu.sync_copy(rows_v, out_hbm.at[pl.ds(off, CHUNK)])
            return carry

        lax.fori_loop(0, n_full, body, 0)
        if rem:
            idx_t, rows_t = tail
            off = base + n_full * CHUNK
            pltpu.sync_copy(idx_hbm.at[pl.ds(off, rem)], idx_t)
            pltpu.async_copy(table_hbm.at[idx_t], rows_t, sem).wait()
            pltpu.sync_copy(rows_t, out_hbm.at[pl.ds(off, rem)])

    return gk(table, idx)


def _sc_scatter_add(vals, idx, zeros):
    per_w = E // NW
    n_full = per_w // CHUNK
    rem = per_w % CHUNK
    rows_per_s = NPAD // NS

    scratch = [
        pltpu.VMEM((CHUNK,), jnp.int32),
        pltpu.VMEM((CHUNK, CW), jnp.float32),
        pltpu.VMEM_SHARED((NPAD, CW), jnp.float32),
    ]
    if rem:
        scratch += [
            pltpu.VMEM((rem,), jnp.int32),
            pltpu.VMEM((rem, CW), jnp.float32),
        ]

    @functools.partial(
        pl.kernel,
        mesh=_mesh,
        out_type=jax.ShapeDtypeStruct((2 * NPAD, CW), jnp.float32),
        scratch_types=scratch,
    )
    def sk(vals_hbm, idx_hbm, zeros_hbm, out_hbm, idx_v, rows_v, acc_sh,
           *tail):
        cid = lax.axis_index("c")
        sid = lax.axis_index("s")
        wid = sid * NC + cid
        base = wid * per_w
        pltpu.sync_copy(
            zeros_hbm.at[pl.ds(sid * rows_per_s, rows_per_s)],
            acc_sh.at[pl.ds(sid * rows_per_s, rows_per_s)],
        )
        plsc.subcore_barrier()

        def body(j, carry):
            off = base + j * CHUNK
            pltpu.sync_copy(idx_hbm.at[pl.ds(off, CHUNK)], idx_v)
            pltpu.sync_copy(vals_hbm.at[pl.ds(off, CHUNK)], rows_v)
            pltpu.sync_copy(rows_v, acc_sh.at[idx_v], add=True)
            return carry

        lax.fori_loop(0, n_full, body, 0)
        if rem:
            idx_t, rows_t = tail
            off = base + n_full * CHUNK
            pltpu.sync_copy(idx_hbm.at[pl.ds(off, rem)], idx_t)
            pltpu.sync_copy(vals_hbm.at[pl.ds(off, rem)], rows_t)
            pltpu.sync_copy(rows_t, acc_sh.at[idx_t], add=True)
        plsc.subcore_barrier()
        pltpu.sync_copy(
            acc_sh.at[pl.ds(sid * rows_per_s, rows_per_s)],
            out_hbm.at[pl.ds(cid * NPAD + sid * rows_per_s, rows_per_s)],
        )

    return sk(vals, idx, zeros)


def _k1_body(x_ref, wq_ref, wk_ref, bq_ref, bk_ref, ga_ref, ba_ref, gm_ref,
             bm_ref, q_ref, kf_ref, zm_ref):
    x = x_ref[...]
    mu = jnp.mean(x, axis=-1, keepdims=True)
    var = jnp.mean((x - mu) * (x - mu), axis=-1, keepdims=True)
    xn = (x - mu) / jnp.sqrt(var + 1e-5)
    z = xn * ga_ref[...] + ba_ref[...]
    zm_ref[...] = xn * gm_ref[...] + bm_ref[...]
    dn = (((1,), (1,)), ((), ()))
    q = lax.dot_general(z, wq_ref[...], dn, preferred_element_type=jnp.float32)
    q = (q + bq_ref[...]) * 0.25
    kf = lax.dot_general(z, wk_ref[...], dn, preferred_element_type=jnp.float32)
    q_ref[...] = q
    kf_ref[...] = kf + bk_ref[...]


def _k2_body(qe_ref, kespe_ref, bias_ref, dist_ref, g_ref, out_ref):
    qe = qe_ref[...]
    ke = kespe_ref[:, :D]
    sp = kespe_ref[:, D:D + 3]
    p = qe * ke
    l8 = lax.dot_general(p, g_ref[...], (((1,), (0,)), ((), ())),
                         preferred_element_type=jnp.float32)
    ex = jnp.exp(l8 + bias_ref[...])
    d = dist_ref[...]
    invd = jnp.where(d == 0.0, 0.0, 1.0 / jnp.where(d == 0.0, 1.0, d))
    w = ex * invd
    pad = jnp.zeros((ex.shape[0], CW - 40), jnp.float32)
    out_ref[...] = jnp.concatenate(
        [ex, w, w * sp[:, 0:1], w * sp[:, 1:2], w * sp[:, 2:3], pad], axis=1)


def _k3_body(acc_a_ref, acc_b_ref, x_ref, zm_ref, pos_ref, w1_ref, w2_ref,
             bin_ref, wo_ref, bo_ref, out_ref):
    acc = acc_a_ref[0] + acc_b_ref[0]
    den = acc[:, 0:8]
    wn = acc[:, 8:16]
    nx = acc[:, 16:24]
    ny = acc[:, 24:32]
    nz = acc[:, 32:40]
    sd = jnp.where(den == 0.0, 1.0, den)
    rn = wn / sd
    fx = nx / sd - rn * pos_ref[:, 0:1]
    fy = ny / sd - rn * pos_ref[:, 1:2]
    fz = nz / sd - rn * pos_ref[:, 2:3]
    feat = jnp.concatenate([fx, fy, fz], axis=1)
    dn = (((1,), (1,)), ((), ()))
    hh = lax.dot_general(zm_ref[...], w1_ref[...], dn,
                         preferred_element_type=jnp.float32)
    hh = hh + lax.dot_general(feat, w2_ref[...], dn,
                              preferred_element_type=jnp.float32)
    hh = jnp.maximum(hh + bin_ref[...], 0.0)
    out = lax.dot_general(hh, wo_ref[...], dn,
                          preferred_element_type=jnp.float32)
    out_ref[...] = x_ref[...] + out + bo_ref[...]


def kernel(x, row_index, src_index, att_bias, dist, pos, src_pos, org_to_src,
           Wq, bq, Wk, bk, g_att, b_att, g_mlp, b_mlp, W_in, b_in, W_out,
           b_out):
    f32 = jnp.float32
    row_i = row_index.astype(jnp.int32)
    src_i = src_index.astype(jnp.int32)
    o2s = org_to_src.astype(jnp.int32)

    RB = 1000
    row1 = lambda v: v.reshape(1, -1)
    q, kf, zm = pl.pallas_call(
        _k1_body,
        grid=(N // RB,),
        in_specs=[
            pl.BlockSpec((RB, D), lambda i: (i, 0)),
            pl.BlockSpec((D, D), lambda i: (0, 0)),
            pl.BlockSpec((D, D), lambda i: (0, 0)),
            pl.BlockSpec((1, D), lambda i: (0, 0)),
            pl.BlockSpec((1, D), lambda i: (0, 0)),
            pl.BlockSpec((1, D), lambda i: (0, 0)),
            pl.BlockSpec((1, D), lambda i: (0, 0)),
            pl.BlockSpec((1, D), lambda i: (0, 0)),
            pl.BlockSpec((1, D), lambda i: (0, 0)),
        ],
        out_specs=[
            pl.BlockSpec((RB, D), lambda i: (i, 0)),
            pl.BlockSpec((RB, D), lambda i: (i, 0)),
            pl.BlockSpec((RB, D), lambda i: (i, 0)),
        ],
        out_shape=[
            jax.ShapeDtypeStruct((N, D), f32),
            jax.ShapeDtypeStruct((N, D), f32),
            jax.ShapeDtypeStruct((N, D), f32),
        ],
    )(x, Wq, Wk, row1(bq), row1(bk), row1(g_att), row1(b_att), row1(g_mlp),
      row1(b_mlp))

    o2s_pad = jnp.concatenate([o2s, jnp.zeros((NPAD - S,), jnp.int32)])
    ks = _sc_gather(kf, o2s_pad, D)
    kspe_tab = jnp.concatenate(
        [ks[:S], src_pos.astype(f32), jnp.zeros((S, 125), f32)], axis=1)
    kespe = _sc_gather(kspe_tab, src_i, 2 * D)
    qe = _sc_gather(q, row_i, D)

    EB = 2000
    gmat = (jnp.arange(D)[:, None] // DH == jnp.arange(H)[None, :]).astype(f32)
    bias_t = att_bias.T.astype(f32)
    dist_c = dist.astype(f32).reshape(E, 1)
    vals = pl.pallas_call(
        _k2_body,
        grid=(E // EB,),
        in_specs=[
            pl.BlockSpec((EB, D), lambda i: (i, 0)),
            pl.BlockSpec((EB, 2 * D), lambda i: (i, 0)),
            pl.BlockSpec((EB, H), lambda i: (i, 0)),
            pl.BlockSpec((EB, 1), lambda i: (i, 0)),
            pl.BlockSpec((D, H), lambda i: (0, 0)),
        ],
        out_specs=pl.BlockSpec((EB, CW), lambda i: (i, 0)),
        out_shape=jax.ShapeDtypeStruct((E, CW), f32),
    )(qe, kespe, bias_t, dist_c, gmat)

    acc2 = _sc_scatter_add(vals, row_i, jnp.zeros((NPAD, CW), f32))
    acc3 = acc2.reshape(2, NPAD, CW)

    pos16 = jnp.concatenate([pos.astype(f32), jnp.zeros((N, 13), f32)], axis=1)
    w1 = W_in[:, :D]
    perm = jnp.array([D + 3 * h + c for c in range(3) for h in range(H)],
                     jnp.int32)
    w2 = W_in[:, perm]
    out = pl.pallas_call(
        _k3_body,
        grid=(N // RB,),
        in_specs=[
            pl.BlockSpec((1, RB, CW), lambda i: (0, i, 0)),
            pl.BlockSpec((1, RB, CW), lambda i: (1, i, 0)),
            pl.BlockSpec((RB, D), lambda i: (i, 0)),
            pl.BlockSpec((RB, D), lambda i: (i, 0)),
            pl.BlockSpec((RB, 16), lambda i: (i, 0)),
            pl.BlockSpec((HID, D), lambda i: (0, 0)),
            pl.BlockSpec((HID, 24), lambda i: (0, 0)),
            pl.BlockSpec((1, HID), lambda i: (0, 0)),
            pl.BlockSpec((D, HID), lambda i: (0, 0)),
            pl.BlockSpec((1, D), lambda i: (0, 0)),
        ],
        out_specs=pl.BlockSpec((RB, D), lambda i: (i, 0)),
        out_shape=jax.ShapeDtypeStruct((N, D), f32),
    )(acc3, acc3, x, zm, pos16, w1, w2, row1(b_in), W_out, row1(b_out))
    return out

# --- scband reference (transcript-rebuilt; emitter-appended) ---
"""Pipeline reference for scband-position-featurizer-49435073577362 (READ-ONLY COPY).

The authoritative reference and input builder live on the scoring server;
editing this copy changes nothing except your own understanding.
"""

import jax, jax.numpy as jnp
import numpy as np

N = 10000
E = 320000
S = 10000
D = 128
H = 8
HID = 256


def _ln(v, g, b):
    mu = jnp.mean(v, axis=-1, keepdims=True)
    var = jnp.var(v, axis=-1, keepdims=True)
    return (v - mu) / jnp.sqrt(var + 1e-5) * g + b


def setup_inputs(seed: int = 0) -> dict:
    key = jax.random.key(seed)
    ks = jax.random.split(key, 20)
    x = jax.random.normal(ks[0], (N, D), dtype=jnp.float32)
    row_index = jnp.sort(jax.random.randint(ks[1], (E,), 0, N, dtype=jnp.int64))
    src_index = jax.random.randint(ks[2], (E,), 0, S, dtype=jnp.int64)
    att_bias = jax.random.normal(ks[3], (H, E), dtype=jnp.float32)
    dist = jax.random.uniform(ks[4], (E,), dtype=jnp.float32)
    pos = jax.random.normal(ks[5], (N, 3), dtype=jnp.float32)
    src_pos = jax.random.normal(ks[6], (S, 3), dtype=jnp.float32)
    org_to_src = jax.random.randint(ks[7], (S,), 0, N, dtype=jnp.int64)
    sc = 1.0 / np.sqrt(D)
    Wq = jax.random.normal(ks[8], (D, D), dtype=jnp.float32) * sc
    bq = jnp.zeros((D,), dtype=jnp.float32)
    Wk = jax.random.normal(ks[9], (D, D), dtype=jnp.float32) * sc
    bk = jnp.zeros((D,), dtype=jnp.float32)
    g_att = jnp.ones((D,), dtype=jnp.float32)
    b_att = jnp.zeros((D,), dtype=jnp.float32)
    g_mlp = jnp.ones((D,), dtype=jnp.float32)
    b_mlp = jnp.zeros((D,), dtype=jnp.float32)
    in_dim = D + 3 * H
    W_in = jax.random.uniform(ks[10], (HID, in_dim), dtype=jnp.float32, minval=-np.sqrt(3.0 / D), maxval=np.sqrt(3.0 / D))
    b_in = jnp.zeros((HID,), dtype=jnp.float32)
    W_out = jax.random.normal(ks[11], (D, HID), dtype=jnp.float32) * (1.0 / np.sqrt(HID))
    b_out = jnp.zeros((D,), dtype=jnp.float32)
    return {"x": x, "row_index": row_index, "src_index": src_index, "att_bias": att_bias, "dist": dist, "pos": pos, "src_pos": src_pos, "org_to_src": org_to_src, "Wq": Wq, "bq": bq, "Wk": Wk, "bk": bk, "g_att": g_att, "b_att": b_att, "g_mlp": g_mlp, "b_mlp": b_mlp, "W_in": W_in, "b_in": b_in, "W_out": W_out, "b_out": b_out}


def reference(x, row_index, src_index, att_bias, dist, pos, src_pos, org_to_src, Wq, bq, Wk, bk, g_att, b_att, g_mlp, b_mlp, W_in, b_in, W_out, b_out):
    n, d = x.shape
    h = att_bias.shape[0]
    dh = d // h
    z = _ln(x, g_att, b_att)
    q = (z @ Wq.T + bq).reshape(n, h, dh).transpose(1, 0, 2)
    kf = (z @ Wk.T + bk).reshape(n, h, dh).transpose(1, 0, 2)
    k = kf[:, org_to_src]
    q = q / jnp.sqrt(jnp.asarray(dh, x.dtype))
    qe = q[:, row_index]
    ke = k[:, src_index]
    logits = jnp.sum(qe * ke, axis=-1) + att_bias
    lt = logits.T
    mx = jax.lax.stop_gradient(jax.ops.segment_max(lt, row_index, num_segments=n))
    ex = jnp.exp(lt - mx[row_index])
    den = jax.ops.segment_sum(ex, row_index, num_segments=n)
    att = ex / den[row_index]
    safe = jnp.where(dist == 0, 1.0, dist)
    invd = jnp.where(dist == 0, 0.0, 1.0 / safe)
    att = att * invd[:, None]
    contrib = att[:, :, None] * src_pos[src_index][:, None, :]
    feat = jax.ops.segment_sum(contrib, row_index, num_segments=n)
    normv = jax.ops.segment_sum(att, row_index, num_segments=n)
    feat = feat - normv[:, :, None] * pos[:, None, :]
    feat = feat.reshape(n, h * 3)
    zm = _ln(x, g_mlp, b_mlp)
    inp = jnp.concatenate([zm, feat], axis=-1)
    hh = jax.nn.relu(inp @ W_in.T + b_in)
    return x + (hh @ W_out.T + b_out)

if __name__ == "__main__":
    import jax
    _d = setup_inputs()
    print(jax.jit(kernel)(*tuple(_d.values())))

</pallas_src>

<mosaic_0001>
#map = affine_map<(d0, d1) -> (0, 0)>
#map1 = affine_map<(d0, d1) -> (0)>
module attributes {stable_mosaic.version = 14 : i64} {
  func.func @gk(%arg0: i32, %arg1: i32, %arg2: memref<10000x256xf32, #tpu.memory_space<hbm>>, %arg3: memref<320000xi32, #tpu.memory_space<hbm>>, %arg4: memref<320000x256xf32, #tpu.memory_space<hbm>>, %arg5: memref<128xi32, #tpu.memory_space<vmem>>, %arg6: memref<128x256xf32, #tpu.memory_space<vmem>>, %arg7: memref<!tpu.dma_semaphore, #tpu.memory_space<semaphore_mem>>, %arg8: memref<16xi32, #tpu.memory_space<vmem>>, %arg9: memref<16x256xf32, #tpu.memory_space<vmem>>) attributes {dimension_semantics = [#tpu.dimension_semantics<core_parallel>, #tpu.dimension_semantics<subcore_parallel>], iteration_bounds = array<i64: 2, 16>, scalar_prefetch = 0 : i64, scratch_operands = 5 : i64, tpu.core_type = #tpu.core_type<sc_vector_subcore>, window_params = [{transform_indices = #map}, {transform_indices = #map1}, {transform_indices = #map}]} {
    %mul3A = arith.constant 2 : i32
    %mul3A_0 = arith.muli %arg1, %mul3A : i32
    %add3A = arith.addi %mul3A_0, %arg0 : i32
    %mul3A_1 = arith.constant 10000 : i32
    %mul3A_2 = arith.muli %add3A, %mul3A_1 : i32
    %scan3A = arith.constant 0 : i32
    %scan3A_3 = arith.constant 0 : i32
    %scan3A_4 = arith.constant 78 : i32
    %scan3A_5 = arith.addi %scan3A_3, %scan3A_4 : i32
    %scan3A_6 = arith.constant 1 : i32
    scf.for %scan3A_14 = %scan3A_3 to %scan3A_5 step %scan3A_6  : i32 {
      %mul3A_15 = arith.constant 128 : i32
      %mul3A_16 = arith.muli %scan3A_14, %mul3A_15 : i32
      %add3A_17 = arith.addi %mul3A_2, %mul3A_16 : i32
      "tpu.region"() ({
        %run_scoped3A = tpu.sem_alloc : memref<!tpu.dma_semaphore, #tpu.memory_space<semaphore_mem>>
        %dma_start3A_24 = tpu.memref_slice %arg3[%add3A_17] : memref<320000xi32, #tpu.memory_space<hbm>> -> memref<128xi32, #tpu.memory_space<hbm>>
        %dma_start3A_25 = tpu.memref_slice %arg3[%add3A_17] : memref<320000xi32, #tpu.memory_space<hbm>> -> memref<128xi32, #tpu.memory_space<hbm>>
        tpu.enqueue_dma source(%dma_start3A_25 : memref<128xi32, #tpu.memory_space<hbm>>) target(%arg5 : memref<128xi32, #tpu.memory_space<vmem>>) target_semaphore(%run_scoped3A : memref<!tpu.dma_semaphore, #tpu.memory_space<semaphore_mem>>)
        %dma_wait3A_26 = tpu.memref_slice %arg3[%add3A_17] : memref<320000xi32, #tpu.memory_space<hbm>> -> memref<128xi32, #tpu.memory_space<hbm>>
        %dma_wait3A_27 = tpu.memref_slice %arg3[%add3A_17] : memref<320000xi32, #tpu.memory_space<hbm>> -> memref<128xi32, #tpu.memory_space<hbm>>
        tpu.wait_dma2 semaphore(%run_scoped3A : memref<!tpu.dma_semaphore, #tpu.memory_space<semaphore_mem>>) src(%dma_wait3A_27 : memref<128xi32, #tpu.memory_space<hbm>>) dst(%arg5 : memref<128xi32, #tpu.memory_space<vmem>>)
        tpu.yield
      }) : () -> ()
      %dma_start3A_18 = arith.constant 0 : i32
      %dma_start3A_19 = arith.constant 0 : i32
      %dma_start3A_20 = tpu.memref_slice %arg2[%dma_start3A_18, %dma_start3A_19] : memref<10000x256xf32, #tpu.memory_space<hbm>> -> memref<10000x256xf32, #tpu.memory_space<hbm>>
      tpu.enqueue_indirect_dma source(%dma_start3A_20 : memref<10000x256xf32, #tpu.memory_space<hbm>>) target(%arg6 : memref<128x256xf32, #tpu.memory_space<vmem>>) offsets(%arg5 : memref<128xi32, #tpu.memory_space<vmem>>) semaphore(%arg7 : memref<!tpu.dma_semaphore, #tpu.memory_space<semaphore_mem>>)
      %dma_wait3A_21 = arith.constant 0 : i32
      %dma_wait3A_22 = arith.constant 0 : i32
      %dma_wait3A_23 = tpu.memref_slice %arg2[%dma_wait3A_21, %dma_wait3A_22] : memref<10000x256xf32, #tpu.memory_space<hbm>> -> memref<10000x256xf32, #tpu.memory_space<hbm>>
      tpu.wait_indirect_dma semaphore(%arg7 : memref<!tpu.dma_semaphore, #tpu.memory_space<semaphore_mem>>) src(%dma_wait3A_23 : memref<10000x256xf32, #tpu.memory_space<hbm>>) dst(%arg6 : memref<128x256xf32, #tpu.memory_space<vmem>>)
      "tpu.region"() ({
        %run_scoped3A = tpu.sem_alloc : memref<!tpu.dma_semaphore, #tpu.memory_space<semaphore_mem>>
        %dma_start3A_24 = arith.constant 0 : i32
        %dma_start3A_25 = tpu.memref_slice %arg4[%add3A_17, %dma_start3A_24] : memref<320000x256xf32, #tpu.memory_space<hbm>> -> memref<128x256xf32, #tpu.memory_space<hbm>>
        %dma_start3A_26 = arith.constant 0 : i32
        %dma_start3A_27 = tpu.memref_slice %arg4[%add3A_17, %dma_start3A_26] : memref<320000x256xf32, #tpu.memory_space<hbm>> -> memref<128x256xf32, #tpu.memory_space<hbm>>
        tpu.enqueue_dma source(%arg6 : memref<128x256xf32, #tpu.memory_space<vmem>>) target(%dma_start3A_27 : memref<128x256xf32, #tpu.memory_space<hbm>>) target_semaphore(%run_scoped3A : memref<!tpu.dma_semaphore, #tpu.memory_space<semaphore_mem>>)
        %dma_wait3A_28 = arith.constant 0 : i32
        %dma_wait3A_29 = tpu.memref_slice %arg4[%add3A_17, %dma_wait3A_28] : memref<320000x256xf32, #tpu.memory_space<hbm>> -> memref<128x256xf32, #tpu.memory_space<hbm>>
        %dma_wait3A_30 = arith.constant 0 : i32
        %dma_wait3A_31 = tpu.memref_slice %arg4[%add3A_17, %dma_wait3A_30] : memref<320000x256xf32, #tpu.memory_space<hbm>> -> memref<128x256xf32, #tpu.memory_space<hbm>>
        tpu.wait_dma2 semaphore(%run_scoped3A : memref<!tpu.dma_semaphore, #tpu.memory_space<semaphore_mem>>) src(%arg6 : memref<128x256xf32, #tpu.memory_space<vmem>>) dst(%dma_wait3A_31 : memref<128x256xf32, #tpu.memory_space<hbm>>)
        tpu.yield
      }) : () -> ()
    }
    %scan3A_7 = arith.constant 78 : i32
    %add3A_8 = arith.constant 9984 : i32
    %add3A_9 = arith.addi %mul3A_2, %add3A_8 : i32
    "tpu.region"() ({
      %run_scoped3A = tpu.sem_alloc : memref<!tpu.dma_semaphore, #tpu.memory_space<semaphore_mem>>
      %dma_start3A_14 = tpu.memref_slice %arg3[%add3A_9] : memref<320000xi32, #tpu.memory_space<hbm>> -> memref<16xi32, #tpu.memory_space<hbm>>
      %dma_start3A_15 = tpu.memref_slice %arg3[%add3A_9] : memref<320000xi32, #tpu.memory_space<hbm>> -> memref<16xi32, #tpu.memory_space<hbm>>
      tpu.enqueue_dma source(%dma_start3A_15 : memref<16xi32, #tpu.memory_space<hbm>>) target(%arg8 : memref<16xi32, #tpu.memory_space<vmem>>) target_semaphore(%run_scoped3A : memref<!tpu.dma_semaphore, #tpu.memory_space<semaphore_mem>>)
      %dma_wait3A_16 = tpu.memref_slice %arg3[%add3A_9] : memref<320000xi32, #tpu.memory_space<hbm>> -> memref<16xi32, #tpu.memory_space<hbm>>
      %dma_wait3A_17 = tpu.memref_slice %arg3[%add3A_9] : memref<320000xi32, #tpu.memory_space<hbm>> -> memref<16xi32, #tpu.memory_space<hbm>>
      tpu.wait_dma2 semaphore(%run_scoped3A : memref<!tpu.dma_semaphore, #tpu.memory_space<semaphore_mem>>) src(%dma_wait3A_17 : memref<16xi32, #tpu.memory_space<hbm>>) dst(%arg8 : memref<16xi32, #tpu.memory_space<vmem>>)
      tpu.yield
    }) : () -> ()
    %dma_start3A = arith.constant 0 : i32
    %dma_start3A_10 = arith.constant 0 : i32
    %dma_start3A_11 = tpu.memref_slice %arg2[%dma_start3A, %dma_start3A_10] : memref<10000x256xf32, #tpu.memory_space<hbm>> -> memref<10000x256xf32, #tpu.memory_space<hbm>>
    tpu.enqueue_indirect_dma source(%dma_start3A_11 : memref<10000x256xf32, #tpu.memory_space<hbm>>) target(%arg9 : memref<16x256xf32, #tpu.memory_space<vmem>>) offsets(%arg8 : memref<16xi32, #tpu.memory_space<vmem>>) semaphore(%arg7 : memref<!tpu.dma_semaphore, #tpu.memory_space<semaphore_mem>>)
    %dma_wait3A = arith.constant 0 : i32
    %dma_wait3A_12 = arith.constant 0 : i32
    %dma_wait3A_13 = tpu.memref_slice %arg2[%dma_wait3A, %dma_wait3A_12] : memref<10000x256xf32, #tpu.memory_space<hbm>> -> memref<10000x256xf32, #tpu.memory_space<hbm>>
    tpu.wait_indirect_dma semaphore(%arg7 : memref<!tpu.dma_semaphore, #tpu.memory_space<semaphore_mem>>) src(%dma_wait3A_13 : memref<10000x256xf32, #tpu.memory_space<hbm>>) dst(%arg9 : memref<16x256xf32, #tpu.memory_space<vmem>>)
    "tpu.region"() ({
      %run_scoped3A = tpu.sem_alloc : memref<!tpu.dma_semaphore, #tpu.memory_space<semaphore_mem>>
      %dma_start3A_14 = arith.constant 0 : i32
      %dma_start3A_15 = tpu.memref_slice %arg4[%add3A_9, %dma_start3A_14] : memref<320000x256xf32, #tpu.memory_space<hbm>> -> memref<16x256xf32, #tpu.memory_space<hbm>>
      %dma_start3A_16 = arith.constant 0 : i32
      %dma_start3A_17 = tpu.memref_slice %arg4[%add3A_9, %dma_start3A_16] : memref<320000x256xf32, #tpu.memory_space<hbm>> -> memref<16x256xf32, #tpu.memory_space<hbm>>
      tpu.enqueue_dma source(%arg9 : memref<16x256xf32, #tpu.memory_space<vmem>>) target(%dma_start3A_17 : memref<16x256xf32, #tpu.memory_space<hbm>>) target_semaphore(%run_scoped3A : memref<!tpu.dma_semaphore, #tpu.memory_space<semaphore_mem>>)
      %dma_wait3A_18 = arith.constant 0 : i32
      %dma_wait3A_19 = tpu.memref_slice %arg4[%add3A_9, %dma_wait3A_18] : memref<320000x256xf32, #tpu.memory_space<hbm>> -> memref<16x256xf32, #tpu.memory_space<hbm>>
      %dma_wait3A_20 = arith.constant 0 : i32
      %dma_wait3A_21 = tpu.memref_slice %arg4[%add3A_9, %dma_wait3A_20] : memref<320000x256xf32, #tpu.memory_space<hbm>> -> memref<16x256xf32, #tpu.memory_space<hbm>>
      tpu.wait_dma2 semaphore(%run_scoped3A : memref<!tpu.dma_semaphore, #tpu.memory_space<semaphore_mem>>) src(%arg9 : memref<16x256xf32, #tpu.memory_space<vmem>>) dst(%dma_wait3A_21 : memref<16x256xf32, #tpu.memory_space<hbm>>)
      tpu.yield
    }) : () -> ()
    return
  }
}

#map = affine_map<(d0, d1) -> (0, 0)>
#map1 = affine_map<(d0, d1) -> (0)>
module attributes {stable_mosaic.version = 14 : i64} {
  func.func @gk(%arg0: i32, %arg1: i32, %arg2: memref<10000x128xf32, #tpu.memory_space<hbm>>, %arg3: memref<10240xi32, #tpu.memory_space<hbm>>, %arg4: memref<10240x128xf32, #tpu.memory_space<hbm>>, %arg5: memref<128xi32, #tpu.memory_space<vmem>>, %arg6: memref<128x128xf32, #tpu.memory_space<vmem>>, %arg7: memref<!tpu.dma_semaphore, #tpu.memory_space<semaphore_mem>>, %arg8: memref<64xi32, #tpu.memory_space<vmem>>, %arg9: memref<64x128xf32, #tpu.memory_space<vmem>>) attributes {dimension_semantics = [#tpu.dimension_semantics<core_parallel>, #tpu.dimension_semantics<subcore_parallel>], iteration_bounds = array<i64: 2, 16>, scalar_prefetch = 0 : i64, scratch_operands = 5 : i64, tpu.core_type = #tpu.core_type<sc_vector_subcore>, window_params = [{transform_indices = #map}, {transform_indices = #map1}, {transform_indices = #map}]} {
    %mul3A = arith.constant 2 : i32
    %mul3A_0 = arith.muli %arg1, %mul3A : i32
    %add3A = arith.addi %mul3A_0, %arg0 : i32
    %mul3A_1 = arith.constant 320 : i32
    %mul3A_2 = arith.muli %add3A, %mul3A_1 : i32
    %scan3A = arith.constant 0 : i32
    %scan3A_3 = arith.constant 0 : i32
    %scan3A_4 = arith.constant 2 : i32
    %scan3A_5 = arith.addi %scan3A_3, %scan3A_4 : i32
    %scan3A_6 = arith.constant 1 : i32
    scf.for %scan3A_14 = %scan3A_3 to %scan3A_5 step %scan3A_6  : i32 {
      %mul3A_15 = arith.constant 128 : i32
      %mul3A_16 = arith.muli %scan3A_14, %mul3A_15 : i32
      %add3A_17 = arith.addi %mul3A_2, %mul3A_16 : i32
      "tpu.region"() ({
        %run_scoped3A = tpu.sem_alloc : memref<!tpu.dma_semaphore, #tpu.memory_space<semaphore_mem>>
        %dma_start3A_24 = tpu.memref_slice %arg3[%add3A_17] : memref<10240xi32, #tpu.memory_space<hbm>> -> memref<128xi32, #tpu.memory_space<hbm>>
        %dma_start3A_25 = tpu.memref_slice %arg3[%add3A_17] : memref<10240xi32, #tpu.memory_space<hbm>> -> memref<128xi32, #tpu.memory_space<hbm>>
        tpu.enqueue_dma source(%dma_start3A_25 : memref<128xi32, #tpu.memory_space<hbm>>) target(%arg5 : memref<128xi32, #tpu.memory_space<vmem>>) target_semaphore(%run_scoped3A : memref<!tpu.dma_semaphore, #tpu.memory_space<semaphore_mem>>)
        %dma_wait3A_26 = tpu.memref_slice %arg3[%add3A_17] : memref<10240xi32, #tpu.memory_space<hbm>> -> memref<128xi32, #tpu.memory_space<hbm>>
        %dma_wait3A_27 = tpu.memref_slice %arg3[%add3A_17] : memref<10240xi32, #tpu.memory_space<hbm>> -> memref<128xi32, #tpu.memory_space<hbm>>
        tpu.wait_dma2 semaphore(%run_scoped3A : memref<!tpu.dma_semaphore, #tpu.memory_space<semaphore_mem>>) src(%dma_wait3A_27 : memref<128xi32, #tpu.memory_space<hbm>>) dst(%arg5 : memref<128xi32, #tpu.memory_space<vmem>>)
        tpu.yield
      }) : () -> ()
      %dma_start3A_18 = arith.constant 0 : i32
      %dma_start3A_19 = arith.constant 0 : i32
      %dma_start3A_20 = tpu.memref_slice %arg2[%dma_start3A_18, %dma_start3A_19] : memref<10000x128xf32, #tpu.memory_space<hbm>> -> memref<10000x128xf32, #tpu.memory_space<hbm>>
      tpu.enqueue_indirect_dma source(%dma_start3A_20 : memref<10000x128xf32, #tpu.memory_space<hbm>>) target(%arg6 : memref<128x128xf32, #tpu.memory_space<vmem>>) offsets(%arg5 : memref<128xi32, #tpu.memory_space<vmem>>) semaphore(%arg7 : memref<!tpu.dma_semaphore, #tpu.memory_space<semaphore_mem>>)
      %dma_wait3A_21 = arith.constant 0 : i32
      %dma_wait3A_22 = arith.constant 0 : i32
      %dma_wait3A_23 = tpu.memref_slice %arg2[%dma_wait3A_21, %dma_wait3A_22] : memref<10000x128xf32, #tpu.memory_space<hbm>> -> memref<10000x128xf32, #tpu.memory_space<hbm>>
      tpu.wait_indirect_dma semaphore(%arg7 : memref<!tpu.dma_semaphore, #tpu.memory_space<semaphore_mem>>) src(%dma_wait3A_23 : memref<10000x128xf32, #tpu.memory_space<hbm>>) dst(%arg6 : memref<128x128xf32, #tpu.memory_space<vmem>>)
      "tpu.region"() ({
        %run_scoped3A = tpu.sem_alloc : memref<!tpu.dma_semaphore, #tpu.memory_space<semaphore_mem>>
        %dma_start3A_24 = arith.constant 0 : i32
        %dma_start3A_25 = tpu.memref_slice %arg4[%add3A_17, %dma_start3A_24] : memref<10240x128xf32, #tpu.memory_space<hbm>> -> memref<128x128xf32, #tpu.memory_space<hbm>>
        %dma_start3A_26 = arith.constant 0 : i32
        %dma_start3A_27 = tpu.memref_slice %arg4[%add3A_17, %dma_start3A_26] : memref<10240x128xf32, #tpu.memory_space<hbm>> -> memref<128x128xf32, #tpu.memory_space<hbm>>
        tpu.enqueue_dma source(%arg6 : memref<128x128xf32, #tpu.memory_space<vmem>>) target(%dma_start3A_27 : memref<128x128xf32, #tpu.memory_space<hbm>>) target_semaphore(%run_scoped3A : memref<!tpu.dma_semaphore, #tpu.memory_space<semaphore_mem>>)
        %dma_wait3A_28 = arith.constant 0 : i32
        %dma_wait3A_29 = tpu.memref_slice %arg4[%add3A_17, %dma_wait3A_28] : memref<10240x128xf32, #tpu.memory_space<hbm>> -> memref<128x128xf32, #tpu.memory_space<hbm>>
        %dma_wait3A_30 = arith.constant 0 : i32
        %dma_wait3A_31 = tpu.memref_slice %arg4[%add3A_17, %dma_wait3A_30] : memref<10240x128xf32, #tpu.memory_space<hbm>> -> memref<128x128xf32, #tpu.memory_space<hbm>>
        tpu.wait_dma2 semaphore(%run_scoped3A : memref<!tpu.dma_semaphore, #tpu.memory_space<semaphore_mem>>) src(%arg6 : memref<128x128xf32, #tpu.memory_space<vmem>>) dst(%dma_wait3A_31 : memref<128x128xf32, #tpu.memory_space<hbm>>)
        tpu.yield
      }) : () -> ()
    }
    %scan3A_7 = arith.constant 2 : i32
    %add3A_8 = arith.constant 256 : i32
    %add3A_9 = arith.addi %mul3A_2, %add3A_8 : i32
    "tpu.region"() ({
      %run_scoped3A = tpu.sem_alloc : memref<!tpu.dma_semaphore, #tpu.memory_space<semaphore_mem>>
      %dma_start3A_14 = tpu.memref_slice %arg3[%add3A_9] : memref<10240xi32, #tpu.memory_space<hbm>> -> memref<64xi32, #tpu.memory_space<hbm>>
      %dma_start3A_15 = tpu.memref_slice %arg3[%add3A_9] : memref<10240xi32, #tpu.memory_space<hbm>> -> memref<64xi32, #tpu.memory_space<hbm>>
      tpu.enqueue_dma source(%dma_start3A_15 : memref<64xi32, #tpu.memory_space<hbm>>) target(%arg8 : memref<64xi32, #tpu.memory_space<vmem>>) target_semaphore(%run_scoped3A : memref<!tpu.dma_semaphore, #tpu.memory_space<semaphore_mem>>)
      %dma_wait3A_16 = tpu.memref_slice %arg3[%add3A_9] : memref<10240xi32, #tpu.memory_space<hbm>> -> memref<64xi32, #tpu.memory_space<hbm>>
      %dma_wait3A_17 = tpu.memref_slice %arg3[%add3A_9] : memref<10240xi32, #tpu.memory_space<hbm>> -> memref<64xi32, #tpu.memory_space<hbm>>
      tpu.wait_dma2 semaphore(%run_scoped3A : memref<!tpu.dma_semaphore, #tpu.memory_space<semaphore_mem>>) src(%dma_wait3A_17 : memref<64xi32, #tpu.memory_space<hbm>>) dst(%arg8 : memref<64xi32, #tpu.memory_space<vmem>>)
      tpu.yield
    }) : () -> ()
    %dma_start3A = arith.constant 0 : i32
    %dma_start3A_10 = arith.constant 0 : i32
    %dma_start3A_11 = tpu.memref_slice %arg2[%dma_start3A, %dma_start3A_10] : memref<10000x128xf32, #tpu.memory_space<hbm>> -> memref<10000x128xf32, #tpu.memory_space<hbm>>
    tpu.enqueue_indirect_dma source(%dma_start3A_11 : memref<10000x128xf32, #tpu.memory_space<hbm>>) target(%arg9 : memref<64x128xf32, #tpu.memory_space<vmem>>) offsets(%arg8 : memref<64xi32, #tpu.memory_space<vmem>>) semaphore(%arg7 : memref<!tpu.dma_semaphore, #tpu.memory_space<semaphore_mem>>)
    %dma_wait3A = arith.constant 0 : i32
    %dma_wait3A_12 = arith.constant 0 : i32
    %dma_wait3A_13 = tpu.memref_slice %arg2[%dma_wait3A, %dma_wait3A_12] : memref<10000x128xf32, #tpu.memory_space<hbm>> -> memref<10000x128xf32, #tpu.memory_space<hbm>>
    tpu.wait_indirect_dma semaphore(%arg7 : memref<!tpu.dma_semaphore, #tpu.memory_space<semaphore_mem>>) src(%dma_wait3A_13 : memref<10000x128xf32, #tpu.memory_space<hbm>>) dst(%arg9 : memref<64x128xf32, #tpu.memory_space<vmem>>)
    "tpu.region"() ({
      %run_scoped3A = tpu.sem_alloc : memref<!tpu.dma_semaphore, #tpu.memory_space<semaphore_mem>>
      %dma_start3A_14 = arith.constant 0 : i32
      %dma_start3A_15 = tpu.memref_slice %arg4[%add3A_9, %dma_start3A_14] : memref<10240x128xf32, #tpu.memory_space<hbm>> -> memref<64x128xf32, #tpu.memory_space<hbm>>
      %dma_start3A_16 = arith.constant 0 : i32
      %dma_start3A_17 = tpu.memref_slice %arg4[%add3A_9, %dma_start3A_16] : memref<10240x128xf32, #tpu.memory_space<hbm>> -> memref<64x128xf32, #tpu.memory_space<hbm>>
      tpu.enqueue_dma source(%arg9 : memref<64x128xf32, #tpu.memory_space<vmem>>) target(%dma_start3A_17 : memref<64x128xf32, #tpu.memory_space<hbm>>) target_semaphore(%run_scoped3A : memref<!tpu.dma_semaphore, #tpu.memory_space<semaphore_mem>>)
      %dma_wait3A_18 = arith.constant 0 : i32
      %dma_wait3A_19 = tpu.memref_slice %arg4[%add3A_9, %dma_wait3A_18] : memref<10240x128xf32, #tpu.memory_space<hbm>> -> memref<64x128xf32, #tpu.memory_space<hbm>>
      %dma_wait3A_20 = arith.constant 0 : i32
      %dma_wait3A_21 = tpu.memref_slice %arg4[%add3A_9, %dma_wait3A_20] : memref<10240x128xf32, #tpu.memory_space<hbm>> -> memref<64x128xf32, #tpu.memory_space<hbm>>
      tpu.wait_dma2 semaphore(%run_scoped3A : memref<!tpu.dma_semaphore, #tpu.memory_space<semaphore_mem>>) src(%arg9 : memref<64x128xf32, #tpu.memory_space<vmem>>) dst(%dma_wait3A_21 : memref<64x128xf32, #tpu.memory_space<hbm>>)
      tpu.yield
    }) : () -> ()
    return
  }
}

#map = affine_map<(d0, d1) -> (0, 0)>
#map1 = affine_map<(d0, d1) -> (0)>
module attributes {stable_mosaic.version = 14 : i64} {
  func.func @sk(%arg0: i32, %arg1: i32, %arg2: memref<320000x128xf32, #tpu.memory_space<hbm>>, %arg3: memref<320000xi32, #tpu.memory_space<hbm>>, %arg4: memref<10240x128xf32, #tpu.memory_space<hbm>>, %arg5: memref<20480x128xf32, #tpu.memory_space<hbm>>, %arg6: memref<128xi32, #tpu.memory_space<vmem>>, %arg7: memref<128x128xf32, #tpu.memory_space<vmem>>, %arg8: memref<10240x128xf32, #tpu.memory_space<vmem_shared>>, %arg9: memref<16xi32, #tpu.memory_space<vmem>>, %arg10: memref<16x128xf32, #tpu.memory_space<vmem>>) attributes {dimension_semantics = [#tpu.dimension_semantics<core_parallel>, #tpu.dimension_semantics<subcore_parallel>], iteration_bounds = array<i64: 2, 16>, scalar_prefetch = 0 : i64, scratch_operands = 5 : i64, tpu.core_type = #tpu.core_type<sc_vector_subcore>, window_params = [{transform_indices = #map}, {transform_indices = #map1}, {transform_indices = #map}, {transform_indices = #map}]} {
    %mul3A = arith.constant 2 : i32
    %mul3A_0 = arith.muli %arg1, %mul3A : i32
    %add3A = arith.addi %mul3A_0, %arg0 : i32
    %mul3A_1 = arith.constant 10000 : i32
    %mul3A_2 = arith.muli %add3A, %mul3A_1 : i32
    %mul3A_3 = arith.constant 640 : i32
    %mul3A_4 = arith.muli %arg1, %mul3A_3 : i32
    %mul3A_5 = arith.constant 640 : i32
    %mul3A_6 = arith.muli %arg1, %mul3A_5 : i32
    "tpu.region"() ({
      %run_scoped3A = tpu.sem_alloc : memref<!tpu.dma_semaphore, #tpu.memory_space<semaphore_mem>>
      %dma_start3A = arith.constant 0 : i32
      %dma_start3A_22 = tpu.memref_slice %arg8[%mul3A_6, %dma_start3A] : memref<10240x128xf32, #tpu.memory_space<vmem_shared>> -> memref<640x128xf32, #tpu.memory_space<vmem_shared>>
      %dma_start3A_23 = arith.constant 0 : i32
      %dma_start3A_24 = tpu.memref_slice %arg4[%mul3A_4, %dma_start3A_23] : memref<10240x128xf32, #tpu.memory_space<hbm>> -> memref<640x128xf32, #tpu.memory_space<hbm>>
      tpu.enqueue_dma source(%dma_start3A_24 : memref<640x128xf32, #tpu.memory_space<hbm>>) target(%dma_start3A_22 : memref<640x128xf32, #tpu.memory_space<vmem_shared>>) target_semaphore(%run_scoped3A : memref<!tpu.dma_semaphore, #tpu.memory_space<semaphore_mem>>)
      %dma_wait3A = arith.constant 0 : i32
      %dma_wait3A_25 = tpu.memref_slice %arg8[%mul3A_6, %dma_wait3A] : memref<10240x128xf32, #tpu.memory_space<vmem_shared>> -> memref<640x128xf32, #tpu.memory_space<vmem_shared>>
      %dma_wait3A_26 = arith.constant 0 : i32
      %dma_wait3A_27 = tpu.memref_slice %arg4[%mul3A_4, %dma_wait3A_26] : memref<10240x128xf32, #tpu.memory_space<hbm>> -> memref<640x128xf32, #tpu.memory_space<hbm>>
      tpu.wait_dma2 semaphore(%run_scoped3A : memref<!tpu.dma_semaphore, #tpu.memory_space<semaphore_mem>>) src(%dma_wait3A_27 : memref<640x128xf32, #tpu.memory_space<hbm>>) dst(%dma_wait3A_25 : memref<640x128xf32, #tpu.memory_space<vmem_shared>>)
      tpu.yield
    }) : () -> ()
    %barrier3A = arith.constant 0 : index
    tpu.barrier barrier_id(%barrier3A)
    %scan3A = arith.constant 0 : i32
    %scan3A_7 = arith.constant 0 : i32
    %scan3A_8 = arith.constant 78 : i32
    %scan3A_9 = arith.addi %scan3A_7, %scan3A_8 : i32
    %scan3A_10 = arith.constant 1 : i32
    scf.for %scan3A_22 = %scan3A_7 to %scan3A_9 step %scan3A_10  : i32 {
      %mul3A_23 = arith.constant 128 : i32
      %mul3A_24 = arith.muli %scan3A_22, %mul3A_23 : i32
      %add3A_25 = arith.addi %mul3A_2, %mul3A_24 : i32
      "tpu.region"() ({
        %run_scoped3A = tpu.sem_alloc : memref<!tpu.dma_semaphore, #tpu.memory_space<semaphore_mem>>
        %dma_start3A = tpu.memref_slice %arg3[%add3A_25] : memref<320000xi32, #tpu.memory_space<hbm>> -> memref<128xi32, #tpu.memory_space<hbm>>
        %dma_start3A_26 = tpu.memref_slice %arg3[%add3A_25] : memref<320000xi32, #tpu.memory_space<hbm>> -> memref<128xi32, #tpu.memory_space<hbm>>
        tpu.enqueue_dma source(%dma_start3A_26 : memref<128xi32, #tpu.memory_space<hbm>>) target(%arg6 : memref<128xi32, #tpu.memory_space<vmem>>) target_semaphore(%run_scoped3A : memref<!tpu.dma_semaphore, #tpu.memory_space<semaphore_mem>>)
        %dma_wait3A = tpu.memref_slice %arg3[%add3A_25] : memref<320000xi32, #tpu.memory_space<hbm>> -> memref<128xi32, #tpu.memory_space<hbm>>
        %dma_wait3A_27 = tpu.memref_slice %arg3[%add3A_25] : memref<320000xi32, #tpu.memory_space<hbm>> -> memref<128xi32, #tpu.memory_space<hbm>>
        tpu.wait_dma2 semaphore(%run_scoped3A : memref<!tpu.dma_semaphore, #tpu.memory_space<semaphore_mem>>) src(%dma_wait3A_27 : memref<128xi32, #tpu.memory_space<hbm>>) dst(%arg6 : memref<128xi32, #tpu.memory_space<vmem>>)
        tpu.yield
      }) : () -> ()
      "tpu.region"() ({
        %run_scoped3A = tpu.sem_alloc : memref<!tpu.dma_semaphore, #tpu.memory_space<semaphore_mem>>
        %dma_start3A = arith.constant 0 : i32
        %dma_start3A_26 = tpu.memref_slice %arg2[%add3A_25, %dma_start3A] : memref<320000x128xf32, #tpu.memory_space<hbm>> -> memref<128x128xf32, #tpu.memory_space<hbm>>
        %dma_start3A_27 = arith.constant 0 : i32
        %dma_start3A_28 = tpu.memref_slice %arg2[%add3A_25, %dma_start3A_27] : memref<320000x128xf32, #tpu.memory_space<hbm>> -> memref<128x128xf32, #tpu.memory_space<hbm>>
        tpu.enqueue_dma source(%dma_start3A_28 : memref<128x128xf32, #tpu.memory_space<hbm>>) target(%arg7 : memref<128x128xf32, #tpu.memory_space<vmem>>) target_semaphore(%run_scoped3A : memref<!tpu.dma_semaphore, #tpu.memory_space<semaphore_mem>>)
        %dma_wait3A = arith.constant 0 : i32
        %dma_wait3A_29 = tpu.memref_slice %arg2[%add3A_25, %dma_wait3A] : memref<320000x128xf32, #tpu.memory_space<hbm>> -> memref<128x128xf32, #tpu.memory_space<hbm>>
        %dma_wait3A_30 = arith.constant 0 : i32
        %dma_wait3A_31 = tpu.memref_slice %arg2[%add3A_25, %dma_wait3A_30] : memref<320000x128xf32, #tpu.memory_space<hbm>> -> memref<128x128xf32, #tpu.memory_space<hbm>>
        tpu.wait_dma2 semaphore(%run_scoped3A : memref<!tpu.dma_semaphore, #tpu.memory_space<semaphore_mem>>) src(%dma_wait3A_31 : memref<128x128xf32, #tpu.memory_space<hbm>>) dst(%arg7 : memref<128x128xf32, #tpu.memory_space<vmem>>)
        tpu.yield
      }) : () -> ()
      "tpu.region"() ({
        %run_scoped3A = tpu.sem_alloc : memref<!tpu.dma_semaphore, #tpu.memory_space<semaphore_mem>>
        %dma_start3A = arith.constant 0 : i32
        %dma_start3A_26 = arith.constant 0 : i32
        %dma_start3A_27 = tpu.memref_slice %arg8[%dma_start3A, %dma_start3A_26] : memref<10240x128xf32, #tpu.memory_space<vmem_shared>> -> memref<10240x128xf32, #tpu.memory_space<vmem_shared>>
        tpu.enqueue_indirect_dma source(%arg7 : memref<128x128xf32, #tpu.memory_space<vmem>>) target(%dma_start3A_27 : memref<10240x128xf32, #tpu.memory_space<vmem_shared>>) offsets(%arg6 : memref<128xi32, #tpu.memory_space<vmem>>) semaphore(%run_scoped3A : memref<!tpu.dma_semaphore, #tpu.memory_space<semaphore_mem>>) {add = true}
        %dma_wait3A = arith.constant 0 : i32
        %dma_wait3A_28 = arith.constant 0 : i32
        %dma_wait3A_29 = tpu.memref_slice %arg8[%dma_wait3A, %dma_wait3A_28] : memref<10240x128xf32, #tpu.memory_space<vmem_shared>> -> memref<10240x128xf32, #tpu.memory_space<vmem_shared>>
        tpu.wait_indirect_dma semaphore(%run_scoped3A : memref<!tpu.dma_semaphore, #tpu.memory_space<semaphore_mem>>) src(%arg7 : memref<128x128xf32, #tpu.memory_space<vmem>>) dst(%dma_wait3A_29 : memref<10240x128xf32, #tpu.memory_space<vmem_shared>>)
        tpu.yield
      }) : () -> ()
    }
    %scan3A_11 = arith.constant 78 : i32
    %add3A_12 = arith.constant 9984 : i32
    %add3A_13 = arith.addi %mul3A_2, %add3A_12 : i32
    "tpu.region"() ({
      %run_scoped3A = tpu.sem_alloc : memref<!tpu.dma_semaphore, #tpu.memory_space<semaphore_mem>>
      %dma_start3A = tpu.memref_slice %arg3[%add3A_13] : memref<320000xi32, #tpu.memory_space<hbm>> -> memref<16xi32, #tpu.memory_space<hbm>>
      %dma_start3A_22 = tpu.memref_slice %arg3[%add3A_13] : memref<320000xi32, #tpu.memory_space<hbm>> -> memref<16xi32, #tpu.memory_space<hbm>>
      tpu.enqueue_dma source(%dma_start3A_22 : memref<16xi32, #tpu.memory_space<hbm>>) target(%arg9 : memref<16xi32, #tpu.memory_space<vmem>>) target_semaphore(%run_scoped3A : memref<!tpu.dma_semaphore, #tpu.memory_space<semaphore_mem>>)
      %dma_wait3A = tpu.memref_slice %arg3[%add3A_13] : memref<320000xi32, #tpu.memory_space<hbm>> -> memref<16xi32, #tpu.memory_space<hbm>>
      %dma_wait3A_23 = tpu.memref_slice %arg3[%add3A_13] : memref<320000xi32, #tpu.memory_space<hbm>> -> memref<16xi32, #tpu.memory_space<hbm>>
      tpu.wait_dma2 semaphore(%run_scoped3A : memref<!tpu.dma_semaphore, #tpu.memory_space<semaphore_mem>>) src(%dma_wait3A_23 : memref<16xi32, #tpu.memory_space<hbm>>) dst(%arg9 : memref<16xi32, #tpu.memory_space<vmem>>)
      tpu.yield
    }) : () -> ()
    "tpu.region"() ({
      %run_scoped3A = tpu.sem_alloc : memref<!tpu.dma_semaphore, #tpu.memory_space<semaphore_mem>>
      %dma_start3A = arith.constant 0 : i32
      %dma_start3A_22 = tpu.memref_slice %arg2[%add3A_13, %dma_start3A] : memref<320000x128xf32, #tpu.memory_space<hbm>> -> memref<16x128xf32, #tpu.memory_space<hbm>>
      %dma_start3A_23 = arith.constant 0 : i32
      %dma_start3A_24 = tpu.memref_slice %arg2[%add3A_13, %dma_start3A_23] : memref<320000x128xf32, #tpu.memory_space<hbm>> -> memref<16x128xf32, #tpu.memory_space<hbm>>
      tpu.enqueue_dma source(%dma_start3A_24 : memref<16x128xf32, #tpu.memory_space<hbm>>) target(%arg10 : memref<16x128xf32, #tpu.memory_space<vmem>>) target_semaphore(%run_scoped3A : memref<!tpu.dma_semaphore, #tpu.memory_space<semaphore_mem>>)
      %dma_wait3A = arith.constant 0 : i32
      %dma_wait3A_25 = tpu.memref_slice %arg2[%add3A_13, %dma_wait3A] : memref<320000x128xf32, #tpu.memory_space<hbm>> -> memref<16x128xf32, #tpu.memory_space<hbm>>
      %dma_wait3A_26 = arith.constant 0 : i32
      %dma_wait3A_27 = tpu.memref_slice %arg2[%add3A_13, %dma_wait3A_26] : memref<320000x128xf32, #tpu.memory_space<hbm>> -> memref<16x128xf32, #tpu.memory_space<hbm>>
      tpu.wait_dma2 semaphore(%run_scoped3A : memref<!tpu.dma_semaphore, #tpu.memory_space<semaphore_mem>>) src(%dma_wait3A_27 : memref<16x128xf32, #tpu.memory_space<hbm>>) dst(%arg10 : memref<16x128xf32, #tpu.memory_space<vmem>>)
      tpu.yield
    }) : () -> ()
    "tpu.region"() ({
      %run_scoped3A = tpu.sem_alloc : memref<!tpu.dma_semaphore, #tpu.memory_space<semaphore_mem>>
      %dma_start3A = arith.constant 0 : i32
      %dma_start3A_22 = arith.constant 0 : i32
      %dma_start3A_23 = tpu.memref_slice %arg8[%dma_start3A, %dma_start3A_22] : memref<10240x128xf32, #tpu.memory_space<vmem_shared>> -> memref<10240x128xf32, #tpu.memory_space<vmem_shared>>
      tpu.enqueue_indirect_dma source(%arg10 : memref<16x128xf32, #tpu.memory_space<vmem>>) target(%dma_start3A_23 : memref<10240x128xf32, #tpu.memory_space<vmem_shared>>) offsets(%arg9 : memref<16xi32, #tpu.memory_space<vmem>>) semaphore(%run_scoped3A : memref<!tpu.dma_semaphore, #tpu.memory_space<semaphore_mem>>) {add = true}
      %dma_wait3A = arith.constant 0 : i32
      %dma_wait3A_24 = arith.constant 0 : i32
      %dma_wait3A_25 = tpu.memref_slice %arg8[%dma_wait3A, %dma_wait3A_24] : memref<10240x128xf32, #tpu.memory_space<vmem_shared>> -> memref<10240x128xf32, #tpu.memory_space<vmem_shared>>
      tpu.wait_indirect_dma semaphore(%run_scoped3A : memref<!tpu.dma_semaphore, #tpu.memory_space<semaphore_mem>>) src(%arg10 : memref<16x128xf32, #tpu.memory_space<vmem>>) dst(%dma_wait3A_25 : memref<10240x128xf32, #tpu.memory_space<vmem_shared>>)
      tpu.yield
    }) : () -> ()
    %barrier3A_14 = arith.constant 0 : index
    tpu.barrier barrier_id(%barrier3A_14)
    %mul3A_15 = arith.constant 640 : i32
    %mul3A_16 = arith.muli %arg1, %mul3A_15 : i32
    %mul3A_17 = arith.constant 10240 : i32
    %mul3A_18 = arith.muli %arg0, %mul3A_17 : i32
    %mul3A_19 = arith.constant 640 : i32
    %mul3A_20 = arith.muli %arg1, %mul3A_19 : i32
    %add3A_21 = arith.addi %mul3A_18, %mul3A_20 : i32
    "tpu.region"() ({
      %run_scoped3A = tpu.sem_alloc : memref<!tpu.dma_semaphore, #tpu.memory_space<semaphore_mem>>
      %dma_start3A = arith.constant 0 : i32
      %dma_start3A_22 = tpu.memref_slice %arg5[%add3A_21, %dma_start3A] : memref<20480x128xf32, #tpu.memory_space<hbm>> -> memref<640x128xf32, #tpu.memory_space<hbm>>
      %dma_start3A_23 = arith.constant 0 : i32
      %dma_start3A_24 = tpu.memref_slice %arg8[%mul3A_16, %dma_start3A_23] : memref<10240x128xf32, #tpu.memory_space<vmem_shared>> -> memref<640x128xf32, #tpu.memory_space<vmem_shared>>
      tpu.enqueue_dma source(%dma_start3A_24 : memref<640x128xf32, #tpu.memory_space<vmem_shared>>) target(%dma_start3A_22 : memref<640x128xf32, #tpu.memory_space<hbm>>) target_semaphore(%run_scoped3A : memref<!tpu.dma_semaphore, #tpu.memory_space<semaphore_mem>>)
      %dma_wait3A = arith.constant 0 : i32
      %dma_wait3A_25 = tpu.memref_slice %arg5[%add3A_21, %dma_wait3A] : memref<20480x128xf32, #tpu.memory_space<hbm>> -> memref<640x128xf32, #tpu.memory_space<hbm>>
      %dma_wait3A_26 = arith.constant 0 : i32
      %dma_wait3A_27 = tpu.memref_slice %arg8[%mul3A_16, %dma_wait3A_26] : memref<10240x128xf32, #tpu.memory_space<vmem_shared>> -> memref<640x128xf32, #tpu.memory_space<vmem_shared>>
      tpu.wait_dma2 semaphore(%run_scoped3A : memref<!tpu.dma_semaphore, #tpu.memory_space<semaphore_mem>>) src(%dma_wait3A_27 : memref<640x128xf32, #tpu.memory_space<vmem_shared>>) dst(%dma_wait3A_25 : memref<640x128xf32, #tpu.memory_space<hbm>>)
      tpu.yield
    }) : () -> ()
    return
  }
}

#map = affine_map<(d0, d1) -> (0, 0)>
#map1 = affine_map<(d0, d1) -> (0)>
module attributes {stable_mosaic.version = 14 : i64} {
  func.func @gk(%arg0: i32, %arg1: i32, %arg2: memref<10000x128xf32, #tpu.memory_space<hbm>>, %arg3: memref<320000xi32, #tpu.memory_space<hbm>>, %arg4: memref<320000x128xf32, #tpu.memory_space<hbm>>, %arg5: memref<128xi32, #tpu.memory_space<vmem>>, %arg6: memref<128x128xf32, #tpu.memory_space<vmem>>, %arg7: memref<!tpu.dma_semaphore, #tpu.memory_space<semaphore_mem>>, %arg8: memref<16xi32, #tpu.memory_space<vmem>>, %arg9: memref<16x128xf32, #tpu.memory_space<vmem>>) attributes {dimension_semantics = [#tpu.dimension_semantics<core_parallel>, #tpu.dimension_semantics<subcore_parallel>], iteration_bounds = array<i64: 2, 16>, scalar_prefetch = 0 : i64, scratch_operands = 5 : i64, tpu.core_type = #tpu.core_type<sc_vector_subcore>, window_params = [{transform_indices = #map}, {transform_indices = #map1}, {transform_indices = #map}]} {
    %mul3A = arith.constant 2 : i32
    %mul3A_0 = arith.muli %arg1, %mul3A : i32
    %add3A = arith.addi %mul3A_0, %arg0 : i32
    %mul3A_1 = arith.constant 10000 : i32
    %mul3A_2 = arith.muli %add3A, %mul3A_1 : i32
    %scan3A = arith.constant 0 : i32
    %scan3A_3 = arith.constant 0 : i32
    %scan3A_4 = arith.constant 78 : i32
    %scan3A_5 = arith.addi %scan3A_3, %scan3A_4 : i32
    %scan3A_6 = arith.constant 1 : i32
    scf.for %scan3A_14 = %scan3A_3 to %scan3A_5 step %scan3A_6  : i32 {
      %mul3A_15 = arith.constant 128 : i32
      %mul3A_16 = arith.muli %scan3A_14, %mul3A_15 : i32
      %add3A_17 = arith.addi %mul3A_2, %mul3A_16 : i32
      "tpu.region"() ({
        %run_scoped3A = tpu.sem_alloc : memref<!tpu.dma_semaphore, #tpu.memory_space<semaphore_mem>>
        %dma_start3A_24 = tpu.memref_slice %arg3[%add3A_17] : memref<320000xi32, #tpu.memory_space<hbm>> -> memref<128xi32, #tpu.memory_space<hbm>>
        %dma_start3A_25 = tpu.memref_slice %arg3[%add3A_17] : memref<320000xi32, #tpu.memory_space<hbm>> -> memref<128xi32, #tpu.memory_space<hbm>>
        tpu.enqueue_dma source(%dma_start3A_25 : memref<128xi32, #tpu.memory_space<hbm>>) target(%arg5 : memref<128xi32, #tpu.memory_space<vmem>>) target_semaphore(%run_scoped3A : memref<!tpu.dma_semaphore, #tpu.memory_space<semaphore_mem>>)
        %dma_wait3A_26 = tpu.memref_slice %arg3[%add3A_17] : memref<320000xi32, #tpu.memory_space<hbm>> -> memref<128xi32, #tpu.memory_space<hbm>>
        %dma_wait3A_27 = tpu.memref_slice %arg3[%add3A_17] : memref<320000xi32, #tpu.memory_space<hbm>> -> memref<128xi32, #tpu.memory_space<hbm>>
        tpu.wait_dma2 semaphore(%run_scoped3A : memref<!tpu.dma_semaphore, #tpu.memory_space<semaphore_mem>>) src(%dma_wait3A_27 : memref<128xi32, #tpu.memory_space<hbm>>) dst(%arg5 : memref<128xi32, #tpu.memory_space<vmem>>)
        tpu.yield
      }) : () -> ()
      %dma_start3A_18 = arith.constant 0 : i32
      %dma_start3A_19 = arith.constant 0 : i32
      %dma_start3A_20 = tpu.memref_slice %arg2[%dma_start3A_18, %dma_start3A_19] : memref<10000x128xf32, #tpu.memory_space<hbm>> -> memref<10000x128xf32, #tpu.memory_space<hbm>>
      tpu.enqueue_indirect_dma source(%dma_start3A_20 : memref<10000x128xf32, #tpu.memory_space<hbm>>) target(%arg6 : memref<128x128xf32, #tpu.memory_space<vmem>>) offsets(%arg5 : memref<128xi32, #tpu.memory_space<vmem>>) semaphore(%arg7 : memref<!tpu.dma_semaphore, #tpu.memory_space<semaphore_mem>>)
      %dma_wait3A_21 = arith.constant 0 : i32
      %dma_wait3A_22 = arith.constant 0 : i32
      %dma_wait3A_23 = tpu.memref_slice %arg2[%dma_wait3A_21, %dma_wait3A_22] : memref<10000x128xf32, #tpu.memory_space<hbm>> -> memref<10000x128xf32, #tpu.memory_space<hbm>>
      tpu.wait_indirect_dma semaphore(%arg7 : memref<!tpu.dma_semaphore, #tpu.memory_space<semaphore_mem>>) src(%dma_wait3A_23 : memref<10000x128xf32, #tpu.memory_space<hbm>>) dst(%arg6 : memref<128x128xf32, #tpu.memory_space<vmem>>)
      "tpu.region"() ({
        %run_scoped3A = tpu.sem_alloc : memref<!tpu.dma_semaphore, #tpu.memory_space<semaphore_mem>>
        %dma_start3A_24 = arith.constant 0 : i32
        %dma_start3A_25 = tpu.memref_slice %arg4[%add3A_17, %dma_start3A_24] : memref<320000x128xf32, #tpu.memory_space<hbm>> -> memref<128x128xf32, #tpu.memory_space<hbm>>
        %dma_start3A_26 = arith.constant 0 : i32
        %dma_start3A_27 = tpu.memref_slice %arg4[%add3A_17, %dma_start3A_26] : memref<320000x128xf32, #tpu.memory_space<hbm>> -> memref<128x128xf32, #tpu.memory_space<hbm>>
        tpu.enqueue_dma source(%arg6 : memref<128x128xf32, #tpu.memory_space<vmem>>) target(%dma_start3A_27 : memref<128x128xf32, #tpu.memory_space<hbm>>) target_semaphore(%run_scoped3A : memref<!tpu.dma_semaphore, #tpu.memory_space<semaphore_mem>>)
        %dma_wait3A_28 = arith.constant 0 : i32
        %dma_wait3A_29 = tpu.memref_slice %arg4[%add3A_17, %dma_wait3A_28] : memref<320000x128xf32, #tpu.memory_space<hbm>> -> memref<128x128xf32, #tpu.memory_space<hbm>>
        %dma_wait3A_30 = arith.constant 0 : i32
        %dma_wait3A_31 = tpu.memref_slice %arg4[%add3A_17, %dma_wait3A_30] : memref<320000x128xf32, #tpu.memory_space<hbm>> -> memref<128x128xf32, #tpu.memory_space<hbm>>
        tpu.wait_dma2 semaphore(%run_scoped3A : memref<!tpu.dma_semaphore, #tpu.memory_space<semaphore_mem>>) src(%arg6 : memref<128x128xf32, #tpu.memory_space<vmem>>) dst(%dma_wait3A_31 : memref<128x128xf32, #tpu.memory_space<hbm>>)
        tpu.yield
      }) : () -> ()
    }
    %scan3A_7 = arith.constant 78 : i32
    %add3A_8 = arith.constant 9984 : i32
    %add3A_9 = arith.addi %mul3A_2, %add3A_8 : i32
    "tpu.region"() ({
      %run_scoped3A = tpu.sem_alloc : memref<!tpu.dma_semaphore, #tpu.memory_space<semaphore_mem>>
      %dma_start3A_14 = tpu.memref_slice %arg3[%add3A_9] : memref<320000xi32, #tpu.memory_space<hbm>> -> memref<16xi32, #tpu.memory_space<hbm>>
      %dma_start3A_15 = tpu.memref_slice %arg3[%add3A_9] : memref<320000xi32, #tpu.memory_space<hbm>> -> memref<16xi32, #tpu.memory_space<hbm>>
      tpu.enqueue_dma source(%dma_start3A_15 : memref<16xi32, #tpu.memory_space<hbm>>) target(%arg8 : memref<16xi32, #tpu.memory_space<vmem>>) target_semaphore(%run_scoped3A : memref<!tpu.dma_semaphore, #tpu.memory_space<semaphore_mem>>)
      %dma_wait3A_16 = tpu.memref_slice %arg3[%add3A_9] : memref<320000xi32, #tpu.memory_space<hbm>> -> memref<16xi32, #tpu.memory_space<hbm>>
      %dma_wait3A_17 = tpu.memref_slice %arg3[%add3A_9] : memref<320000xi32, #tpu.memory_space<hbm>> -> memref<16xi32, #tpu.memory_space<hbm>>
      tpu.wait_dma2 semaphore(%run_scoped3A : memref<!tpu.dma_semaphore, #tpu.memory_space<semaphore_mem>>) src(%dma_wait3A_17 : memref<16xi32, #tpu.memory_space<hbm>>) dst(%arg8 : memref<16xi32, #tpu.memory_space<vmem>>)
      tpu.yield
    }) : () -> ()
    %dma_start3A = arith.constant 0 : i32
    %dma_start3A_10 = arith.constant 0 : i32
    %dma_start3A_11 = tpu.memref_slice %arg2[%dma_start3A, %dma_start3A_10] : memref<10000x128xf32, #tpu.memory_space<hbm>> -> memref<10000x128xf32, #tpu.memory_space<hbm>>
    tpu.enqueue_indirect_dma source(%dma_start3A_11 : memref<10000x128xf32, #tpu.memory_space<hbm>>) target(%arg9 : memref<16x128xf32, #tpu.memory_space<vmem>>) offsets(%arg8 : memref<16xi32, #tpu.memory_space<vmem>>) semaphore(%arg7 : memref<!tpu.dma_semaphore, #tpu.memory_space<semaphore_mem>>)
    %dma_wait3A = arith.constant 0 : i32
    %dma_wait3A_12 = arith.constant 0 : i32
    %dma_wait3A_13 = tpu.memref_slice %arg2[%dma_wait3A, %dma_wait3A_12] : memref<10000x128xf32, #tpu.memory_space<hbm>> -> memref<10000x128xf32, #tpu.memory_space<hbm>>
    tpu.wait_indirect_dma semaphore(%arg7 : memref<!tpu.dma_semaphore, #tpu.memory_space<semaphore_mem>>) src(%dma_wait3A_13 : memref<10000x128xf32, #tpu.memory_space<hbm>>) dst(%arg9 : memref<16x128xf32, #tpu.memory_space<vmem>>)
    "tpu.region"() ({
      %run_scoped3A = tpu.sem_alloc : memref<!tpu.dma_semaphore, #tpu.memory_space<semaphore_mem>>
      %dma_start3A_14 = arith.constant 0 : i32
      %dma_start3A_15 = tpu.memref_slice %arg4[%add3A_9, %dma_start3A_14] : memref<320000x128xf32, #tpu.memory_space<hbm>> -> memref<16x128xf32, #tpu.memory_space<hbm>>
      %dma_start3A_16 = arith.constant 0 : i32
      %dma_start3A_17 = tpu.memref_slice %arg4[%add3A_9, %dma_start3A_16] : memref<320000x128xf32, #tpu.memory_space<hbm>> -> memref<16x128xf32, #tpu.memory_space<hbm>>
      tpu.enqueue_dma source(%arg9 : memref<16x128xf32, #tpu.memory_space<vmem>>) target(%dma_start3A_17 : memref<16x128xf32, #tpu.memory_space<hbm>>) target_semaphore(%run_scoped3A : memref<!tpu.dma_semaphore, #tpu.memory_space<semaphore_mem>>)
      %dma_wait3A_18 = arith.constant 0 : i32
      %dma_wait3A_19 = tpu.memref_slice %arg4[%add3A_9, %dma_wait3A_18] : memref<320000x128xf32, #tpu.memory_space<hbm>> -> memref<16x128xf32, #tpu.memory_space<hbm>>
      %dma_wait3A_20 = arith.constant 0 : i32
      %dma_wait3A_21 = tpu.memref_slice %arg4[%add3A_9, %dma_wait3A_20] : memref<320000x128xf32, #tpu.memory_space<hbm>> -> memref<16x128xf32, #tpu.memory_space<hbm>>
      tpu.wait_dma2 semaphore(%run_scoped3A : memref<!tpu.dma_semaphore, #tpu.memory_space<semaphore_mem>>) src(%arg9 : memref<16x128xf32, #tpu.memory_space<vmem>>) dst(%dma_wait3A_21 : memref<16x128xf32, #tpu.memory_space<hbm>>)
      tpu.yield
    }) : () -> ()
    return
  }
}

module attributes {stable_mosaic.version = 14 : i64} {
  func.func @_k1_body(%arg0: i32, %arg1: memref<1000x128xf32, #tpu.memory_space<vmem>>, %arg2: memref<128x128xf32, #tpu.memory_space<vmem>>, %arg3: memref<128x128xf32, #tpu.memory_space<vmem>>, %arg4: memref<1x128xf32, #tpu.memory_space<vmem>>, %arg5: memref<1x128xf32, #tpu.memory_space<vmem>>, %arg6: memref<1x128xf32, #tpu.memory_space<vmem>>, %arg7: memref<1x128xf32, #tpu.memory_space<vmem>>, %arg8: memref<1x128xf32, #tpu.memory_space<vmem>>, %arg9: memref<1x128xf32, #tpu.memory_space<vmem>>, %arg10: memref<1000x128xf32, #tpu.memory_space<vmem>>, %arg11: memref<1000x128xf32, #tpu.memory_space<vmem>>, %arg12: memref<1000x128xf32, #tpu.memory_space<vmem>>) attributes {dimension_semantics = [#tpu.dimension_semantics<arbitrary>], iteration_bounds = array<i64: 10>, scalar_prefetch = 0 : i64, scratch_operands = 0 : i64, tpu.core_type = #tpu.core_type<tc>, window_params = [{transform_indices = @transform_0, window_bounds = array<i64: 1000, 128>}, {pipeline_mode = #tpu.pipeline_mode<synchronous>, transform_indices = @transform_1, window_bounds = array<i64: 128, 128>}, {pipeline_mode = #tpu.pipeline_mode<synchronous>, transform_indices = @transform_2, window_bounds = array<i64: 128, 128>}, {pipeline_mode = #tpu.pipeline_mode<synchronous>, transform_indices = @transform_3, window_bounds = array<i64: 1, 128>}, {pipeline_mode = #tpu.pipeline_mode<synchronous>, transform_indices = @transform_4, window_bounds = array<i64: 1, 128>}, {pipeline_mode = #tpu.pipeline_mode<synchronous>, transform_indices = @transform_5, window_bounds = array<i64: 1, 128>}, {pipeline_mode = #tpu.pipeline_mode<synchronous>, transform_indices = @transform_6, window_bounds = array<i64: 1, 128>}, {pipeline_mode = #tpu.pipeline_mode<synchronous>, transform_indices = @transform_7, window_bounds = array<i64: 1, 128>}, {pipeline_mode = #tpu.pipeline_mode<synchronous>, transform_indices = @transform_8, window_bounds = array<i64: 1, 128>}, {transform_indices = @transform_9, window_bounds = array<i64: 1000, 128>}, {transform_indices = @transform_10, window_bounds = array<i64: 1000, 128>}, {transform_indices = @transform_11, window_bounds = array<i64: 1000, 128>}]} {
    %get3A = arith.constant 0 : index
    %get3A_0 = arith.constant 0 : index
    %get3A_1 = vector.load %arg1[%get3A, %get3A_0] : memref<1000x128xf32, #tpu.memory_space<vmem>>, vector<1000x128xf32>
    %reduce_sum3A = arith.constant dense<0.000000e+00> : vector<1000xf32>
    %reduce_sum3A_2 = vector.multi_reduction <add>, %get3A_1, %reduce_sum3A [1] : vector<1000x128xf32> to vector<1000xf32>
    %broadcast_in_dim3A = vector.shape_cast %reduce_sum3A_2 : vector<1000xf32> to vector<1000x1xf32>
    %div3A = arith.constant 1.280000e+02 : f32
    %div3A_3 = vector.broadcast %div3A : f32 to vector<1000x1xf32>
    %div3A_4 = arith.divf %broadcast_in_dim3A, %div3A_3 : vector<1000x1xf32>
    %sub3A = vector.broadcast %div3A_4 : vector<1000x1xf32> to vector<1000x128xf32>
    %sub3A_5 = arith.subf %get3A_1, %sub3A : vector<1000x128xf32>
    %sub3A_6 = vector.broadcast %div3A_4 : vector<1000x1xf32> to vector<1000x128xf32>
    %sub3A_7 = arith.subf %get3A_1, %sub3A_6 : vector<1000x128xf32>
    %mul3A = arith.mulf %sub3A_5, %sub3A_7 : vector<1000x128xf32>
    %reduce_sum3A_8 = arith.constant dense<0.000000e+00> : vector<1000xf32>
    %reduce_sum3A_9 = vector.multi_reduction <add>, %mul3A, %reduce_sum3A_8 [1] : vector<1000x128xf32> to vector<1000xf32>
    %broadcast_in_dim3A_10 = vector.shape_cast %reduce_sum3A_9 : vector<1000xf32> to vector<1000x1xf32>
    %div3A_11 = arith.constant 1.280000e+02 : f32
    %div3A_12 = vector.broadcast %div3A_11 : f32 to vector<1000x1xf32>
    %div3A_13 = arith.divf %broadcast_in_dim3A_10, %div3A_12 : vector<1000x1xf32>
    %sub3A_14 = vector.broadcast %div3A_4 : vector<1000x1xf32> to vector<1000x128xf32>
    %sub3A_15 = arith.subf %get3A_1, %sub3A_14 : vector<1000x128xf32>
    %add3A = arith.constant 9.99999974E-6 : f32
    %add3A_16 = vector.broadcast %add3A : f32 to vector<1000x1xf32>
    %add3A_17 = arith.addf %div3A_13, %add3A_16 : vector<1000x1xf32>
    %sqrt3A = math.sqrt %add3A_17 : vector<1000x1xf32>
    %div3A_18 = vector.broadcast %sqrt3A : vector<1000x1xf32> to vector<1000x128xf32>
    %div3A_19 = arith.divf %sub3A_15, %div3A_18 : vector<1000x128xf32>
    %get3A_20 = arith.constant 0 : index
    %get3A_21 = arith.constant 0 : index
    %get3A_22 = vector.load %arg6[%get3A_20, %get3A_21] : memref<1x128xf32, #tpu.memory_space<vmem>>, vector<1x128xf32>
    %mul3A_23 = vector.broadcast %get3A_22 : vector<1x128xf32> to vector<1000x128xf32>
    %mul3A_24 = arith.mulf %div3A_19, %mul3A_23 : vector<1000x128xf32>
    %get3A_25 = arith.constant 0 : index
    %get3A_26 = arith.constant 0 : index
    %get3A_27 = vector.load %arg7[%get3A_25, %get3A_26] : memref<1x128xf32, #tpu.memory_space<vmem>>, vector<1x128xf32>
    %add3A_28 = vector.broadcast %get3A_27 : vector<1x128xf32> to vector<1000x128xf32>
    %add3A_29 = arith.addf %mul3A_24, %add3A_28 : vector<1000x128xf32>
    %get3A_30 = arith.constant 0 : index
    %get3A_31 = arith.constant 0 : index
    %get3A_32 = vector.load %arg8[%get3A_30, %get3A_31] : memref<1x128xf32, #tpu.memory_space<vmem>>, vector<1x128xf32>
    %mul3A_33 = vector.broadcast %get3A_32 : vector<1x128xf32> to vector<1000x128xf32>
    %mul3A_34 = arith.mulf %div3A_19, %mul3A_33 : vector<1000x128xf32>
    %get3A_35 = arith.constant 0 : index
    %get3A_36 = arith.constant 0 : index
    %get3A_37 = vector.load %arg9[%get3A_35, %get3A_36] : memref<1x128xf32, #tpu.memory_space<vmem>>, vector<1x128xf32>
    %add3A_38 = vector.broadcast %get3A_37 : vector<1x128xf32> to vector<1000x128xf32>
    %add3A_39 = arith.addf %mul3A_34, %add3A_38 : vector<1000x128xf32>
    %swap3A = arith.constant 0 : index
    %swap3A_40 = arith.constant 0 : index
    %swap3A_41 = vector.load %arg12[%swap3A, %swap3A_40] : memref<1000x128xf32, #tpu.memory_space<vmem>>, vector<1000x128xf32>
    tpu.vector_store %arg12[%swap3A, %swap3A_40], %add3A_39 {strides = array<i32>} : memref<1000x128xf32, #tpu.memory_space<vmem>>, vector<1000x128xf32>,
    %get3A_42 = arith.constant 0 : index
    %get3A_43 = arith.constant 0 : index
    %get3A_44 = vector.load %arg2[%get3A_42, %get3A_43] : memref<128x128xf32, #tpu.memory_space<vmem>>, vector<128x128xf32>
    %dot_general3A = arith.constant dense<0.000000e+00> : vector<1000x128xf32>
    %dot_general3A_45 = tpu.matmul %add3A_29, %get3A_44, %dot_general3A {dimension_numbers = #tpu.dot_dimension_numbers<[1], [1], [0], [0], [0, 0, 1, 0], [], []>, transpose_lhs_hint = false} : vector<1000x128xf32>, vector<128x128xf32>, vector<1000x128xf32> -> vector<1000x128xf32>
    %get3A_46 = arith.constant 0 : index
    %get3A_47 = arith.constant 0 : index
    %get3A_48 = vector.load %arg4[%get3A_46, %get3A_47] : memref<1x128xf32, #tpu.memory_space<vmem>>, vector<1x128xf32>
    %add3A_49 = vector.broadcast %get3A_48 : vector<1x128xf32> to vector<1000x128xf32>
    %add3A_50 = arith.addf %dot_general3A_45, %add3A_49 : vector<1000x128xf32>
    %mul3A_51 = arith.constant 2.500000e-01 : f32
    %mul3A_52 = vector.broadcast %mul3A_51 : f32 to vector<1000x128xf32>
    %mul3A_53 = arith.mulf %add3A_50, %mul3A_52 : vector<1000x128xf32>
    %get3A_54 = arith.constant 0 : index
    %get3A_55 = arith.constant 0 : index
    %get3A_56 = vector.load %arg3[%get3A_54, %get3A_55] : memref<128x128xf32, #tpu.memory_space<vmem>>, vector<128x128xf32>
    %dot_general3A_57 = arith.constant dense<0.000000e+00> : vector<1000x128xf32>
    %dot_general3A_58 = tpu.matmul %add3A_29, %get3A_56, %dot_general3A_57 {dimension_numbers = #tpu.dot_dimension_numbers<[1], [1], [0], [0], [0, 0, 1, 0], [], []>, transpose_lhs_hint = false} : vector<1000x128xf32>, vector<128x128xf32>, vector<1000x128xf32> -> vector<1000x128xf32>
    %swap3A_59 = arith.constant 0 : index
    %swap3A_60 = arith.constant 0 : index
    %swap3A_61 = vector.load %arg10[%swap3A_59, %swap3A_60] : memref<1000x128xf32, #tpu.memory_space<vmem>>, vector<1000x128xf32>
    tpu.vector_store %arg10[%swap3A_59, %swap3A_60], %mul3A_53 {strides = array<i32>} : memref<1000x128xf32, #tpu.memory_space<vmem>>, vector<1000x128xf32>,
    %get3A_62 = arith.constant 0 : index
    %get3A_63 = arith.constant 0 : index
    %get3A_64 = vector.load %arg5[%get3A_62, %get3A_63] : memref<1x128xf32, #tpu.memory_space<vmem>>, vector<1x128xf32>
    %add3A_65 = vector.broadcast %get3A_64 : vector<1x128xf32> to vector<1000x128xf32>
    %add3A_66 = arith.addf %dot_general3A_58, %add3A_65 : vector<1000x128xf32>
    %swap3A_67 = arith.constant 0 : index
    %swap3A_68 = arith.constant 0 : index
    %swap3A_69 = vector.load %arg11[%swap3A_67, %swap3A_68] : memref<1000x128xf32, #tpu.memory_space<vmem>>, vector<1000x128xf32>
    tpu.vector_store %arg11[%swap3A_67, %swap3A_68], %add3A_66 {strides = array<i32>} : memref<1000x128xf32, #tpu.memory_space<vmem>>, vector<1000x128xf32>,
    return
  }
  func.func @transform_0(%arg0: i32) -> (i32, i32) {
    %c0_i32 = arith.constant 0 : i32
    %c0_i32_0 = arith.constant 0 : i32
    return %arg0, %c0_i32 : i32, i32
  }
  func.func @transform_1(%arg0: i32) -> (i32, i32) {
    %c0_i32 = arith.constant 0 : i32
    %c0_i32_0 = arith.constant 0 : i32
    %c0_i32_1 = arith.constant 0 : i32
    return %c0_i32, %c0_i32_0 : i32, i32
  }
  func.func @transform_2(%arg0: i32) -> (i32, i32) {
    %c0_i32 = arith.constant 0 : i32
    %c0_i32_0 = arith.constant 0 : i32
    %c0_i32_1 = arith.constant 0 : i32
    return %c0_i32, %c0_i32_0 : i32, i32
  }
  func.func @transform_3(%arg0: i32) -> (i32, i32) {
    %c0_i32 = arith.constant 0 : i32
    %c0_i32_0 = arith.constant 0 : i32
    %c0_i32_1 = arith.constant 0 : i32
    return %c0_i32, %c0_i32_0 : i32, i32
  }
  func.func @transform_4(%arg0: i32) -> (i32, i32) {
    %c0_i32 = arith.constant 0 : i32
    %c0_i32_0 = arith.constant 0 : i32
    %c0_i32_1 = arith.constant 0 : i32
    return %c0_i32, %c0_i32_0 : i32, i32
  }
  func.func @transform_5(%arg0: i32) -> (i32, i32) {
    %c0_i32 = arith.constant 0 : i32
    %c0_i32_0 = arith.constant 0 : i32
    %c0_i32_1 = arith.constant 0 : i32
    return %c0_i32, %c0_i32_0 : i32, i32
  }
  func.func @transform_6(%arg0: i32) -> (i32, i32) {
    %c0_i32 = arith.constant 0 : i32
    %c0_i32_0 = arith.constant 0 : i32
    %c0_i32_1 = arith.constant 0 : i32
    return %c0_i32, %c0_i32_0 : i32, i32
  }
  func.func @transform_7(%arg0: i32) -> (i32, i32) {
    %c0_i32 = arith.constant 0 : i32
    %c0_i32_0 = arith.constant 0 : i32
    %c0_i32_1 = arith.constant 0 : i32
    return %c0_i32, %c0_i32_0 : i32, i32
  }
  func.func @transform_8(%arg0: i32) -> (i32, i32) {
    %c0_i32 = arith.constant 0 : i32
    %c0_i32_0 = arith.constant 0 : i32
    %c0_i32_1 = arith.constant 0 : i32
    return %c0_i32, %c0_i32_0 : i32, i32
  }
  func.func @transform_9(%arg0: i32) -> (i32, i32) {
    %c0_i32 = arith.constant 0 : i32
    %c0_i32_0 = arith.constant 0 : i32
    return %arg0, %c0_i32 : i32, i32
  }
  func.func @transform_10(%arg0: i32) -> (i32, i32) {
    %c0_i32 = arith.constant 0 : i32
    %c0_i32_0 = arith.constant 0 : i32
    return %arg0, %c0_i32 : i32, i32
  }
  func.func @transform_11(%arg0: i32) -> (i32, i32) {
    %c0_i32 = arith.constant 0 : i32
    %c0_i32_0 = arith.constant 0 : i32
    return %arg0, %c0_i32 : i32, i32
  }
}

module attributes {stable_mosaic.version = 14 : i64} {
  func.func @_k2_body(%arg0: i32, %arg1: memref<2000x128xf32, #tpu.memory_space<vmem>>, %arg2: memref<2000x256xf32, #tpu.memory_space<vmem>>, %arg3: memref<2000x8xf32, #tpu.memory_space<vmem>>, %arg4: memref<2000x1xf32, #tpu.memory_space<vmem>>, %arg5: memref<128x8xf32, #tpu.memory_space<vmem>>, %arg6: memref<2000x128xf32, #tpu.memory_space<vmem>>) attributes {dimension_semantics = [#tpu.dimension_semantics<arbitrary>], iteration_bounds = array<i64: 160>, scalar_prefetch = 0 : i64, scratch_operands = 0 : i64, tpu.core_type = #tpu.core_type<tc>, window_params = [{transform_indices = @transform_0, window_bounds = array<i64: 2000, 128>}, {transform_indices = @transform_1, window_bounds = array<i64: 2000, 256>}, {transform_indices = @transform_2, window_bounds = array<i64: 2000, 8>}, {transform_indices = @transform_3, window_bounds = array<i64: 2000, 1>}, {pipeline_mode = #tpu.pipeline_mode<synchronous>, transform_indices = @transform_4, window_bounds = array<i64: 128, 8>}, {transform_indices = @transform_5, window_bounds = array<i64: 2000, 128>}]} {
    %get3A = arith.constant 0 : index
    %get3A_0 = arith.constant 0 : index
    %get3A_1 = vector.load %arg1[%get3A, %get3A_0] : memref<2000x128xf32, #tpu.memory_space<vmem>>, vector<2000x128xf32>
    %get3A_2 = arith.constant 0 : index
    %get3A_3 = arith.constant 0 : index
    %get3A_4 = vector.load %arg2[%get3A_2, %get3A_3] : memref<2000x256xf32, #tpu.memory_space<vmem>>, vector<2000x128xf32>
    %get3A_5 = arith.constant 0 : index
    %get3A_6 = arith.constant 128 : index
    %get3A_7 = vector.load %arg2[%get3A_5, %get3A_6] : memref<2000x256xf32, #tpu.memory_space<vmem>>, vector<2000x3xf32>
    %mul3A = arith.mulf %get3A_1, %get3A_4 : vector<2000x128xf32>
    %get3A_8 = arith.constant 0 : index
    %get3A_9 = arith.constant 0 : index
    %get3A_10 = vector.load %arg5[%get3A_8, %get3A_9] : memref<128x8xf32, #tpu.memory_space<vmem>>, vector<128x8xf32>
    %dot_general3A = arith.constant dense<0.000000e+00> : vector<2000x8xf32>
    %dot_general3A_11 = tpu.matmul %mul3A, %get3A_10, %dot_general3A {dimension_numbers = #tpu.dot_dimension_numbers<[1], [0], [0], [1], [0, 0, 1, 1], [], []>, transpose_lhs_hint = false} : vector<2000x128xf32>, vector<128x8xf32>, vector<2000x8xf32> -> vector<2000x8xf32>
    %get3A_12 = arith.constant 0 : index
    %get3A_13 = arith.constant 0 : index
    %get3A_14 = vector.load %arg3[%get3A_12, %get3A_13] : memref<2000x8xf32, #tpu.memory_space<vmem>>, vector<2000x8xf32>
    %add3A = arith.addf %dot_general3A_11, %get3A_14 : vector<2000x8xf32>
    %exp3A = math.exp %add3A : vector<2000x8xf32>
    %get3A_15 = arith.constant 0 : index
    %get3A_16 = arith.constant 0 : index
    %get3A_17 = vector.load %arg4[%get3A_15, %get3A_16] : memref<2000x1xf32, #tpu.memory_space<vmem>>, vector<2000x1xf32>
    %eq3A = arith.constant 0.000000e+00 : f32
    %eq3A_18 = vector.broadcast %eq3A : f32 to vector<2000x1xf32>
    %eq3A_19 = arith.cmpf oeq, %get3A_17, %eq3A_18 : vector<2000x1xf32>
    %eq3A_20 = arith.constant 0.000000e+00 : f32
    %eq3A_21 = vector.broadcast %eq3A_20 : f32 to vector<2000x1xf32>
    %eq3A_22 = arith.cmpf oeq, %get3A_17, %eq3A_21 : vector<2000x1xf32>
    %jit3A = arith.constant 1.000000e+00 : f32
    %broadcast_in_dim3A = vector.broadcast %jit3A : f32 to vector<2000x1xf32>
    %select_n3A = arith.select %eq3A_22, %broadcast_in_dim3A, %get3A_17 : vector<2000x1xi1>, vector<2000x1xf32>
    %div3A = arith.constant 1.000000e+00 : f32
    %div3A_23 = vector.broadcast %div3A : f32 to vector<2000x1xf32>
    %div3A_24 = arith.divf %div3A_23, %select_n3A : vector<2000x1xf32>
    %jit3A_25 = arith.constant 0.000000e+00 : f32
    %broadcast_in_dim3A_26 = vector.broadcast %jit3A_25 : f32 to vector<2000x1xf32>
    %select_n3A_27 = arith.select %eq3A_19, %broadcast_in_dim3A_26, %div3A_24 : vector<2000x1xi1>, vector<2000x1xf32>
    %mul3A_28 = vector.broadcast %select_n3A_27 : vector<2000x1xf32> to vector<2000x8xf32>
    %mul3A_29 = arith.mulf %exp3A, %mul3A_28 : vector<2000x8xf32>
    %broadcast_in_dim3A_30 = arith.constant 0.000000e+00 : f32
    %broadcast_in_dim3A_31 = vector.broadcast %broadcast_in_dim3A_30 : f32 to vector<2000x88xf32>
    %slice3A = vector.extract_strided_slice %get3A_7 {offsets = [0, 0], sizes = [2000, 1], strides = [1, 1]} : vector<2000x3xf32> to vector<2000x1xf32>
    %mul3A_32 = vector.broadcast %slice3A : vector<2000x1xf32> to vector<2000x8xf32>
    %mul3A_33 = arith.mulf %mul3A_29, %mul3A_32 : vector<2000x8xf32>
    %slice3A_34 = vector.extract_strided_slice %get3A_7 {offsets = [0, 1], sizes = [2000, 1], strides = [1, 1]} : vector<2000x3xf32> to vector<2000x1xf32>
    %mul3A_35 = vector.broadcast %slice3A_34 : vector<2000x1xf32> to vector<2000x8xf32>
    %mul3A_36 = arith.mulf %mul3A_29, %mul3A_35 : vector<2000x8xf32>
    %slice3A_37 = vector.extract_strided_slice %get3A_7 {offsets = [0, 2], sizes = [2000, 1], strides = [1, 1]} : vector<2000x3xf32> to vector<2000x1xf32>
    %mul3A_38 = vector.broadcast %slice3A_37 : vector<2000x1xf32> to vector<2000x8xf32>
    %mul3A_39 = arith.mulf %mul3A_29, %mul3A_38 : vector<2000x8xf32>
    %concatenate3A = tpu.concatenate %exp3A, %mul3A_29, %mul3A_33, %mul3A_36, %mul3A_39, %broadcast_in_dim3A_31 in 1 : vector<2000x8xf32>, vector<2000x8xf32>, vector<2000x8xf32>, vector<2000x8xf32>, vector<2000x8xf32>, vector<2000x88xf32> -> vector<2000x128xf32>
    %swap3A = arith.constant 0 : index
    %swap3A_40 = arith.constant 0 : index
    %swap3A_41 = vector.load %arg6[%swap3A, %swap3A_40] : memref<2000x128xf32, #tpu.memory_space<vmem>>, vector<2000x128xf32>
    tpu.vector_store %arg6[%swap3A, %swap3A_40], %concatenate3A {strides = array<i32>} : memref<2000x128xf32, #tpu.memory_space<vmem>>, vector<2000x128xf32>,
    return
  }
  func.func @transform_0(%arg0: i32) -> (i32, i32) {
    %c0_i32 = arith.constant 0 : i32
    %c0_i32_0 = arith.constant 0 : i32
    return %arg0, %c0_i32 : i32, i32
  }
  func.func @transform_1(%arg0: i32) -> (i32, i32) {
    %c0_i32 = arith.constant 0 : i32
    %c0_i32_0 = arith.constant 0 : i32
    return %arg0, %c0_i32 : i32, i32
  }
  func.func @transform_2(%arg0: i32) -> (i32, i32) {
    %c0_i32 = arith.constant 0 : i32
    %c0_i32_0 = arith.constant 0 : i32
    return %arg0, %c0_i32 : i32, i32
  }
  func.func @transform_3(%arg0: i32) -> (i32, i32) {
    %c0_i32 = arith.constant 0 : i32
    %c0_i32_0 = arith.constant 0 : i32
    return %arg0, %c0_i32 : i32, i32
  }
  func.func @transform_4(%arg0: i32) -> (i32, i32) {
    %c0_i32 = arith.constant 0 : i32
    %c0_i32_0 = arith.constant 0 : i32
    %c0_i32_1 = arith.constant 0 : i32
    return %c0_i32, %c0_i32_0 : i32, i32
  }
  func.func @transform_5(%arg0: i32) -> (i32, i32) {
    %c0_i32 = arith.constant 0 : i32
    %c0_i32_0 = arith.constant 0 : i32
    return %arg0, %c0_i32 : i32, i32
  }
}

module attributes {stable_mosaic.version = 14 : i64} {
  func.func @_k3_body(%arg0: i32, %arg1: memref<1x1000x128xf32, #tpu.memory_space<vmem>>, %arg2: memref<1x1000x128xf32, #tpu.memory_space<vmem>>, %arg3: memref<1000x128xf32, #tpu.memory_space<vmem>>, %arg4: memref<1000x128xf32, #tpu.memory_space<vmem>>, %arg5: memref<1000x16xf32, #tpu.memory_space<vmem>>, %arg6: memref<256x128xf32, #tpu.memory_space<vmem>>, %arg7: memref<256x24xf32, #tpu.memory_space<vmem>>, %arg8: memref<1x256xf32, #tpu.memory_space<vmem>>, %arg9: memref<128x256xf32, #tpu.memory_space<vmem>>, %arg10: memref<1x128xf32, #tpu.memory_space<vmem>>, %arg11: memref<1000x128xf32, #tpu.memory_space<vmem>>) attributes {dimension_semantics = [#tpu.dimension_semantics<arbitrary>], iteration_bounds = array<i64: 10>, scalar_prefetch = 0 : i64, scratch_operands = 0 : i64, tpu.core_type = #tpu.core_type<tc>, window_params = [{transform_indices = @transform_0, window_bounds = array<i64: 1, 1000, 128>}, {transform_indices = @transform_1, window_bounds = array<i64: 1, 1000, 128>}, {transform_indices = @transform_2, window_bounds = array<i64: 1000, 128>}, {transform_indices = @transform_3, window_bounds = array<i64: 1000, 128>}, {transform_indices = @transform_4, window_bounds = array<i64: 1000, 16>}, {pipeline_mode = #tpu.pipeline_mode<synchronous>, transform_indices = @transform_5, window_bounds = array<i64: 256, 128>}, {pipeline_mode = #tpu.pipeline_mode<synchronous>, transform_indices = @transform_6, window_bounds = array<i64: 256, 24>}, {pipeline_mode = #tpu.pipeline_mode<synchronous>, transform_indices = @transform_7, window_bounds = array<i64: 1, 256>}, {pipeline_mode = #tpu.pipeline_mode<synchronous>, transform_indices = @transform_8, window_bounds = array<i64: 128, 256>}, {pipeline_mode = #tpu.pipeline_mode<synchronous>, transform_indices = @transform_9, window_bounds = array<i64: 1, 128>}, {transform_indices = @transform_10, window_bounds = array<i64: 1000, 128>}]} {
    %get3A = arith.constant 0 : index
    %get3A_0 = arith.constant 0 : index
    %get3A_1 = arith.constant 0 : index
    %get3A_2 = vector.load %arg1[%get3A, %get3A_0, %get3A_1] : memref<1x1000x128xf32, #tpu.memory_space<vmem>>, vector<1x1000x128xf32>
    %get3A_3 = vector.shape_cast %get3A_2 : vector<1x1000x128xf32> to vector<1000x128xf32>
    %get3A_4 = arith.constant 0 : index
    %get3A_5 = arith.constant 0 : index
    %get3A_6 = arith.constant 0 : index
    %get3A_7 = vector.load %arg2[%get3A_4, %get3A_5, %get3A_6] : memref<1x1000x128xf32, #tpu.memory_space<vmem>>, vector<1x1000x128xf32>
    %get3A_8 = vector.shape_cast %get3A_7 : vector<1x1000x128xf32> to vector<1000x128xf32>
    %add3A = arith.addf %get3A_3, %get3A_8 : vector<1000x128xf32>
    %slice3A = vector.extract_strided_slice %add3A {offsets = [0, 0], sizes = [1000, 8], strides = [1, 1]} : vector<1000x128xf32> to vector<1000x8xf32>
    %slice3A_9 = vector.extract_strided_slice %add3A {offsets = [0, 8], sizes = [1000, 8], strides = [1, 1]} : vector<1000x128xf32> to vector<1000x8xf32>
    %slice3A_10 = vector.extract_strided_slice %add3A {offsets = [0, 16], sizes = [1000, 8], strides = [1, 1]} : vector<1000x128xf32> to vector<1000x8xf32>
    %slice3A_11 = vector.extract_strided_slice %add3A {offsets = [0, 24], sizes = [1000, 8], strides = [1, 1]} : vector<1000x128xf32> to vector<1000x8xf32>
    %slice3A_12 = vector.extract_strided_slice %add3A {offsets = [0, 32], sizes = [1000, 8], strides = [1, 1]} : vector<1000x128xf32> to vector<1000x8xf32>
    %eq3A = arith.constant 0.000000e+00 : f32
    %eq3A_13 = vector.broadcast %eq3A : f32 to vector<1000x8xf32>
    %eq3A_14 = arith.cmpf oeq, %slice3A, %eq3A_13 : vector<1000x8xf32>
    %jit3A = arith.constant 1.000000e+00 : f32
    %broadcast_in_dim3A = vector.broadcast %jit3A : f32 to vector<1000x8xf32>
    %select_n3A = arith.select %eq3A_14, %broadcast_in_dim3A, %slice3A : vector<1000x8xi1>, vector<1000x8xf32>
    %div3A = arith.divf %slice3A_9, %select_n3A : vector<1000x8xf32>
    %div3A_15 = arith.divf %slice3A_10, %select_n3A : vector<1000x8xf32>
    %get3A_16 = arith.constant 0 : index
    %get3A_17 = arith.constant 0 : index
    %get3A_18 = vector.load %arg5[%get3A_16, %get3A_17] : memref<1000x16xf32, #tpu.memory_space<vmem>>, vector<1000x1xf32>
    %mul3A = vector.broadcast %get3A_18 : vector<1000x1xf32> to vector<1000x8xf32>
    %mul3A_19 = arith.mulf %div3A, %mul3A : vector<1000x8xf32>
    %sub3A = arith.subf %div3A_15, %mul3A_19 : vector<1000x8xf32>
    %div3A_20 = arith.divf %slice3A_11, %select_n3A : vector<1000x8xf32>
    %get3A_21 = arith.constant 0 : index
    %get3A_22 = arith.constant 1 : index
    %get3A_23 = vector.load %arg5[%get3A_21, %get3A_22] : memref<1000x16xf32, #tpu.memory_space<vmem>>, vector<1000x1xf32>
    %mul3A_24 = vector.broadcast %get3A_23 : vector<1000x1xf32> to vector<1000x8xf32>
    %mul3A_25 = arith.mulf %div3A, %mul3A_24 : vector<1000x8xf32>
    %sub3A_26 = arith.subf %div3A_20, %mul3A_25 : vector<1000x8xf32>
    %div3A_27 = arith.divf %slice3A_12, %select_n3A : vector<1000x8xf32>
    %get3A_28 = arith.constant 0 : index
    %get3A_29 = arith.constant 2 : index
    %get3A_30 = vector.load %arg5[%get3A_28, %get3A_29] : memref<1000x16xf32, #tpu.memory_space<vmem>>, vector<1000x1xf32>
    %mul3A_31 = vector.broadcast %get3A_30 : vector<1000x1xf32> to vector<1000x8xf32>
    %mul3A_32 = arith.mulf %div3A, %mul3A_31 : vector<1000x8xf32>
    %sub3A_33 = arith.subf %div3A_27, %mul3A_32 : vector<1000x8xf32>
    %concatenate3A = tpu.concatenate %sub3A, %sub3A_26, %sub3A_33 in 1 : vector<1000x8xf32>, vector<1000x8xf32>, vector<1000x8xf32> -> vector<1000x24xf32>
    %get3A_34 = arith.constant 0 : index
    %get3A_35 = arith.constant 0 : index
    %get3A_36 = vector.load %arg4[%get3A_34, %get3A_35] : memref<1000x128xf32, #tpu.memory_space<vmem>>, vector<1000x128xf32>
    %get3A_37 = arith.constant 0 : index
    %get3A_38 = arith.constant 0 : index
    %get3A_39 = vector.load %arg6[%get3A_37, %get3A_38] : memref<256x128xf32, #tpu.memory_space<vmem>>, vector<256x128xf32>
    %dot_general3A = arith.constant dense<0.000000e+00> : vector<1000x256xf32>
    %dot_general3A_40 = tpu.matmul %get3A_36, %get3A_39, %dot_general3A {dimension_numbers = #tpu.dot_dimension_numbers<[1], [1], [0], [0], [0, 0, 1, 0], [], []>, transpose_lhs_hint = false} : vector<1000x128xf32>, vector<256x128xf32>, vector<1000x256xf32> -> vector<1000x256xf32>
    %get3A_41 = arith.constant 0 : index
    %get3A_42 = arith.constant 0 : index
    %get3A_43 = vector.load %arg7[%get3A_41, %get3A_42] : memref<256x24xf32, #tpu.memory_space<vmem>>, vector<256x24xf32>
    %dot_general3A_44 = arith.constant dense<0.000000e+00> : vector<1000x256xf32>
    %dot_general3A_45 = tpu.matmul %concatenate3A, %get3A_43, %dot_general3A_44 {dimension_numbers = #tpu.dot_dimension_numbers<[1], [1], [0], [0], [0, 0, 1, 0], [], []>, transpose_lhs_hint = false} : vector<1000x24xf32>, vector<256x24xf32>, vector<1000x256xf32> -> vector<1000x256xf32>
    %add3A_46 = arith.addf %dot_general3A_40, %dot_general3A_45 : vector<1000x256xf32>
    %get3A_47 = arith.constant 0 : index
    %get3A_48 = arith.constant 0 : index
    %get3A_49 = vector.load %arg8[%get3A_47, %get3A_48] : memref<1x256xf32, #tpu.memory_space<vmem>>, vector<1x256xf32>
    %add3A_50 = vector.broadcast %get3A_49 : vector<1x256xf32> to vector<1000x256xf32>
    %add3A_51 = arith.addf %add3A_46, %add3A_50 : vector<1000x256xf32>
    %max3A = arith.constant 0.000000e+00 : f32
    %max3A_52 = vector.broadcast %max3A : f32 to vector<1000x256xf32>
    %max3A_53 = arith.maximumf %add3A_51, %max3A_52 : vector<1000x256xf32>
    %get3A_54 = arith.constant 0 : index
    %get3A_55 = arith.constant 0 : index
    %get3A_56 = vector.load %arg9[%get3A_54, %get3A_55] : memref<128x256xf32, #tpu.memory_space<vmem>>, vector<128x256xf32>
    %dot_general3A_57 = arith.constant dense<0.000000e+00> : vector<1000x128xf32>
    %dot_general3A_58 = tpu.matmul %max3A_53, %get3A_56, %dot_general3A_57 {dimension_numbers = #tpu.dot_dimension_numbers<[1], [1], [0], [0], [0, 0, 1, 0], [], []>, transpose_lhs_hint = false} : vector<1000x256xf32>, vector<128x256xf32>, vector<1000x128xf32> -> vector<1000x128xf32>
    %get3A_59 = arith.constant 0 : index
    %get3A_60 = arith.constant 0 : index
    %get3A_61 = vector.load %arg3[%get3A_59, %get3A_60] : memref<1000x128xf32, #tpu.memory_space<vmem>>, vector<1000x128xf32>
    %add3A_62 = arith.addf %get3A_61, %dot_general3A_58 : vector<1000x128xf32>
    %get3A_63 = arith.constant 0 : index
    %get3A_64 = arith.constant 0 : index
    %get3A_65 = vector.load %arg10[%get3A_63, %get3A_64] : memref<1x128xf32, #tpu.memory_space<vmem>>, vector<1x128xf32>
    %add3A_66 = vector.broadcast %get3A_65 : vector<1x128xf32> to vector<1000x128xf32>
    %add3A_67 = arith.addf %add3A_62, %add3A_66 : vector<1000x128xf32>
    %swap3A = arith.constant 0 : index
    %swap3A_68 = arith.constant 0 : index
    %swap3A_69 = vector.load %arg11[%swap3A, %swap3A_68] : memref<1000x128xf32, #tpu.memory_space<vmem>>, vector<1000x128xf32>
    tpu.vector_store %arg11[%swap3A, %swap3A_68], %add3A_67 {strides = array<i32>} : memref<1000x128xf32, #tpu.memory_space<vmem>>, vector<1000x128xf32>,
    return
  }
  func.func @transform_0(%arg0: i32) -> (i32, i32, i32) {
    %c0_i32 = arith.constant 0 : i32
    %c0_i32_0 = arith.constant 0 : i32
    %c0_i32_1 = arith.constant 0 : i32
    return %c0_i32, %arg0, %c0_i32_0 : i32, i32, i32
  }
  func.func @transform_1(%arg0: i32) -> (i32, i32, i32) {
    %c1_i32 = arith.constant 1 : i32
    %c0_i32 = arith.constant 0 : i32
    %c0_i32_0 = arith.constant 0 : i32
    return %c1_i32, %arg0, %c0_i32 : i32, i32, i32
  }
  func.func @transform_2(%arg0: i32) -> (i32, i32) {
    %c0_i32 = arith.constant 0 : i32
    %c0_i32_0 = arith.constant 0 : i32
    return %arg0, %c0_i32 : i32, i32
  }
  func.func @transform_3(%arg0: i32) -> (i32, i32) {
    %c0_i32 = arith.constant 0 : i32
    %c0_i32_0 = arith.constant 0 : i32
    return %arg0, %c0_i32 : i32, i32
  }
  func.func @transform_4(%arg0: i32) -> (i32, i32) {
    %c0_i32 = arith.constant 0 : i32
    %c0_i32_0 = arith.constant 0 : i32
    return %arg0, %c0_i32 : i32, i32
  }
  func.func @transform_5(%arg0: i32) -> (i32, i32) {
    %c0_i32 = arith.constant 0 : i32
    %c0_i32_0 = arith.constant 0 : i32
    %c0_i32_1 = arith.constant 0 : i32
    return %c0_i32, %c0_i32_0 : i32, i32
  }
  func.func @transform_6(%arg0: i32) -> (i32, i32) {
    %c0_i32 = arith.constant 0 : i32
    %c0_i32_0 = arith.constant 0 : i32
    %c0_i32_1 = arith.constant 0 : i32
    return %c0_i32, %c0_i32_0 : i32, i32
  }
  func.func @transform_7(%arg0: i32) -> (i32, i32) {
    %c0_i32 = arith.constant 0 : i32
    %c0_i32_0 = arith.constant 0 : i32
    %c0_i32_1 = arith.constant 0 : i32
    return %c0_i32, %c0_i32_0 : i32, i32
  }
  func.func @transform_8(%arg0: i32) -> (i32, i32) {
    %c0_i32 = arith.constant 0 : i32
    %c0_i32_0 = arith.constant 0 : i32
    %c0_i32_1 = arith.constant 0 : i32
    return %c0_i32, %c0_i32_0 : i32, i32
  }
  func.func @transform_9(%arg0: i32) -> (i32, i32) {
    %c0_i32 = arith.constant 0 : i32
    %c0_i32_0 = arith.constant 0 : i32
    %c0_i32_1 = arith.constant 0 : i32
    return %c0_i32, %c0_i32_0 : i32, i32
  }
  func.func @transform_10(%arg0: i32) -> (i32, i32) {
    %c0_i32 = arith.constant 0 : i32
    %c0_i32_0 = arith.constant 0 : i32
    return %arg0, %c0_i32 : i32, i32
  }
}

</mosaic_0001>

<sc_bundles>
// kernel: kernel.12.cloned.1.call-start
scs
__scs_entry_jumppad:
0x0: {  	(pc) =	sbr.rel $0x88, $3  }
0x1: {  	(tag) =	ssettag $0x0;
	lr =	simm.s32 $0x1  }
0x2: {  	[smem:$0x3F8D] =	sst lr;
	_ =	strace $0xD0000000  }
0x3: {  	_ = 	snop  }
0x4: {  	_ = 	snop  }
0x5: {  	_ = 	snop  }
0x6: {  	_ = 	snop  }
0x7: {  	_ = 	snop  }
__scs_overlays_trampoline_lowered:
0x8: {  	[smem:$0x3F9C] =	sst s0  }
0x9: {  	[smem:$0x3F9D] =	sst s1  }
0xa: {  	[smem:$0x3F9E] =	sst s2  }
0xb: {  	[smem:$0x3F9F] =	sst s3  }
0xc: {  	[smem:$0x3FA0] =	sst s4  }
0xd: {  	[smem:$0x3FA1] =	sst s5  }
0xe: {  	[smem:$0x3FA2] =	sst s6  }
0xf: {  	[smem:$0x3FA3] =	sst s7  }
0x10: {  	[smem:$0x3FA4] =	sst s8  }
0x11: {  	[smem:$0x3FA5] =	sst s9;
	s0 =	simm.s32 @!p0 $0x0  }
0x12: {  	s1 =	sld [smem:$0x3F8B];
	s0 =	simm.s32 @p0 $0x1  }
0x13: {  	[smem:$0x3FA6] =	sst s0;
	s0 =	simm.s32 @!p1 $0x0  }
0x14: {  	s2 =	sld [smem:$0x3F8A];
	s0 =	simm.s32 @p1 $0x1  }
0x15: {  	[smem:$0x3FA7] =	sst s0;
	s0 =	simm.s32 @!p2 $0x0  }
0x16: {  	s3 =	sld [smem:$0x3FDB];
	s0 =	simm.s32 @p2 $0x1  }
0x17: {  	s4 =	simm.s32 $0x1BF5;
	[smem:$0x3FA9] =	sst s0  }
0x18: {  	s0 =	sld [smem:$0x3F8C];
	_ =	swait.ge [sflag:s4], $0x0  }
0x19: {  	s7 =	sld [smem:$0x3F8D]  }
0x1a: {  	s8 =	sadd.s32 $0xFFFFE003, lr  }
0x1b: {  	s9 =	sadd.s32 $0xFFFFFEF7, lr;
	s5 =	simm.s32 $0xFFFFFFFF;
	p2 =	slt.u32 s8, $0xFFFFF086  }
0x1c: {  	p1 =	slt.u32 s9, $0xF7A;
	s5 =	simm.s32 @!p2 $0x0  }
0x1d: {  	s5 =	simm.s32 @p1 $0x1;
	p0 =	seq.s32 s7, s2  }
0x1e: {  	s7 =	smul.u32 @!p0 $0xF7A, s2;
	p2 =	seq.s32 @!p0 s5, $0x0  }
0x1f: {  	s9 =	smul.u32 $0xF7A, s1;
	s8 =	simm.s32 @!p0 $0x1BF5;
	p2 =	por !p2, p0  }
0x20: {  	[sflag:s8] =	ssyncset.s32 @!p0 $0xFFFFF086;
	s6 =	sadd.s32 @!p0 s3, s7;
	s7 =	simm.s32 @!p0 $0x108  }
0x21: {  	s3 =	sadd.s32 s3, s9;
	s6 =	sadd.s32 @!p0 $0x88, s6;
	s7 =	simm.s32 @p2 $0x1082  }
0x22: {  	[simem:s7], [sflag:s8] =	dma.local @!p0 [hbm:s6], $0xF7A  }
0x23: {  	s9 =	sor.u32 $0xD0000000, s2;
	s6 =	simm.s32 $0x108;
	_ =	swait.ge @!p0 [sflag:s8], $0x0  }
0x24: {  	s3 =	sadd.s32 $0x88, s3;
	s6 =	simm.s32 @!p1 $0x1082;
	[sflag:s4] =	ssyncset.s32 $0xFFFFF086  }
0x25: {  	[simem:s6], [sflag:s4] =	dma.local [hbm:s3], $0xF7A  }
0x26: {  	[smem:$0x3F8D] =	sst s1;
	(tag) =	ssettag s2;
	_ =	strace s9  }
0x27: {  	s1 =	sld [smem:$0x3F9D]  }
0x28: {  	s2 =	sld [smem:$0x3F9E]  }
0x29: {  	s4 =	sld [smem:$0x3FA0]  }
0x2a: {  	p0 =	seq.s32 s5, $0x0;
	s5 =	sld [smem:$0x3FA1]  }
0x2b: {  	s6 =	sld [smem:$0x3FA2]  }
0x2c: {  	s7 =	sld [smem:$0x3FA3]  }
0x2d: {  	s3 =	simm.s32 $0x108;
	s8 =	sld [smem:$0x3FA4]  }
0x2e: {  	s3 =	simm.s32 @!p0 $0x1082;
	s9 =	sld [smem:$0x3FA5]  }
0x2f: {  	lr =	sadd.s32 s0, s3;
	s0 =	sld [smem:$0x3F9C]  }
0x30: {  	s3 =	sld [smem:$0x3F9F]  }
0x31: {  	[smem:$0x3FA8] =	sst s10  }
0x32: {  	s10 =	sld [smem:$0x3FA6];
	_ =	sdelay $0x3  }
0x33: {  	p0 =	seq.s32 s10, $0x1;
	s10 =	sld [smem:$0x3FA8];
	_ =	sdelay $0x3  }
0x34: {  	[smem:$0x3FA8] =	sst s10  }
0x35: {  	s10 =	sld [smem:$0x3FA7];
	_ =	sdelay $0x3  }
0x36: {  	p1 =	seq.s32 s10, $0x1;
	s10 =	sld [smem:$0x3FA8];
	_ =	sdelay $0x3  }
0x37: {  	[smem:$0x3FA8] =	sst s10  }
0x38: {  	s10 =	sld [smem:$0x3FA9]  }
0x39: {  	_ = 	snop;
	(pc) =	sbr.ind lr, $3  }
0x3a: {  	_ = 	snop  }
0x3b: {  	_ = 	snop  }
0x3c: {  	p2 =	seq.s32 s10, $0x1;
	s10 =	sld [smem:$0x3FA8]  }
0x3d: {  	_ =	shalt  }
0x3e: {  	_ =	shalt  }
0x3f: {  	_ =	shalt  }
0x40: {  	_ =	shalt  }
0x41: {  	_ =	shalt  }
0x42: {  	_ =	shalt  }
0x43: {  	_ =	shalt  }
0x44: {  	_ =	shalt  }
0x45: {  	_ =	shalt  }
0x46: {  	_ =	shalt  }
0x47: {  	_ =	shalt  }
0x48: {  	_ =	shalt  }
0x49: {  	_ =	shalt  }
0x4a: {  	_ =	shalt  }
0x4b: {  	_ =	shalt  }
0x4c: {  	_ =	shalt  }
0x4d: {  	_ =	shalt  }
0x4e: {  	_ =	shalt  }
0x4f: {  	_ =	shalt  }
0x50: {  	_ =	shalt  }
0x51: {  	_ =	shalt  }
0x52: {  	_ =	shalt  }
0x53: {  	_ =	shalt  }
0x54: {  	_ =	shalt  }
0x55: {  	_ =	shalt  }
0x56: {  	_ =	shalt  }
0x57: {  	_ =	shalt  }
0x58: {  	_ =	shalt  }
0x59: {  	_ =	shalt  }
0x5a: {  	_ =	shalt  }
0x5b: {  	_ =	shalt  }
0x5c: {  	_ =	shalt  }
0x5d: {  	_ =	shalt  }
0x5e: {  	_ =	shalt  }
0x5f: {  	_ =	shalt  }
0x60: {  	_ =	shalt  }
0x61: {  	_ =	shalt  }
0x62: {  	_ =	shalt  }
0x63: {  	_ =	shalt  }
0x64: {  	_ =	shalt  }
0x65: {  	_ =	shalt  }
0x66: {  	_ =	shalt  }
0x67: {  	_ =	shalt  }
0x68: {  	_ =	shalt  }
0x69: {  	_ =	shalt  }
0x6a: {  	_ =	shalt  }
0x6b: {  	_ =	shalt  }
0x6c: {  	_ =	shalt  }
0x6d: {  	_ =	shalt  }
0x6e: {  	_ =	shalt  }
0x6f: {  	_ =	shalt  }
0x70: {  	_ =	shalt  }
0x71: {  	_ =	shalt  }
0x72: {  	_ =	shalt  }
0x73: {  	_ =	shalt  }
0x74: {  	_ =	shalt  }
0x75: {  	_ =	shalt  }
0x76: {  	_ =	shalt  }
0x77: {  	_ =	shalt  }
0x78: {  	_ =	shalt  }
0x79: {  	_ =	shalt  }
0x7a: {  	_ =	shalt  }
0x7b: {  	_ =	shalt  }
0x7c: {  	_ =	shalt  }
0x7d: {  	_ =	shalt  }
0x7e: {  	_ =	shalt  }
0x7f: {  	_ =	shalt  }
0x80: {  	_ =	shalt  }
0x81: {  	_ =	shalt  }
0x82: {  	_ =	shalt  }
0x83: {  	_ =	shalt  }
0x84: {  	_ =	shalt  }
0x85: {  	_ =	shalt  }
0x86: {  	_ =	shalt  }
0x87: {  	_ =	shalt  }
.Lfunc_end0:
.L_simem_size_0:
called_computation.1_lowered:
.L_overlay_start_0:
0x88: {  	s2 =	sld [smem:$0x3FD9]  }
0x89: {  	s3 =	sld [smem:$0x3FFE];
	_ =	sdelay $0x1  }
0x8a: {  	s1 =	srdreg.scid  }
0x8b: {  	s0 =	sand.u32 $0x1, s1  }
0x8c: {  	s17 =	sshll.u32 s0, $0xA;
	s2 =	sadd.s32 s3, s2  }
0x8d: {  	s2 =	sadd.s32 s2, s17  }
0x8e: {  	[smem:$0x3FB4] =	sst s2  }
0x8f: {  	_ = 	snop  }
0x90: {  	s18 =	sld [smem:$0x3FC7];
	(tm) =	ssettm $0x1  }
0x91: {  	s19 =	sld [smem:$0x3FFB];
	_ =	sdelay $0x3  }
0x92: {  	_ =	strace s19  }
0x93: {  	s2 =	sld [smem:$0x3FFC];
	_ =	sdelay $0x3  }
0x94: {  	_ =	strace s2  }
0x95: {  	s2 =	sld [smem:$0x3FFD];
	_ =	sdelay $0x3  }
0x96: {  	_ =	strace s2  }
0x97: {  	_ =	strace $0x8FFFFFFF  }
0x98: {  	s20 =	sld [smem:$0x3FDB];
	_ =	sdelay $0x1  }
0x99: {  	s4 =	simm.s32 $_scs_section_size  }
0x9a: {  	s5 =	simm.s32 $_size__tile_overlayer_lowered;
	s6 =	simm.s32 $_tile_overlayer_lowered  }
0x9b: {  	s7 =	simm.s32 $0x1BFF;
	s21 =	sshll.u32 s6, $0x1;
	s4 =	sadd.s32 s4, s20  }
0x9c: {  	s22 =	simm.s32 $0x0;
	s5 =	sshll.u32 s5, $0x1;
	s6 =	sadd.s32 s21, s4  }
0x9d: {  	[timem:s22], [sflag:s7] =	dma.local [hbm:s6], s5  }
0x9e: {  	_ =	swait.ge [sflag:s7], s5  }
0x9f: {  	s5 =	ssub.s32 $0x0, s5;
	[sflag:s7] =	ssyncset.done $0x0  }
0xa0: {  	[sflag:s7] =	ssyncadd.s32 s5;
	_ =	sdelay $0x1  }
0xa1: {  	s23 =	simm.s32 $0x1B8B  }
0xa2: {  	_ =	swait.ge [sflag:s23], $0x1  }
0xa3: {  	[sflag:s23] =	ssyncset.done $0x0  }
0xa4: {  	[sflag:s23] =	ssyncadd.s32 $0xFFFFFFFF  }
0xa5: {  	s5 =	sld [smem:$0x0]  }
0xa6: {  	s6 =	sand.u32 $0xFFFFFFFE, s1  }
0xa7: {  	p0 =	sne.s32 s1, s6  }
0xa8: {  	s6 =	sshll.u32 @p0 s6, $0xE  }
0xa9: {  	s6 =	sadd.s32 @p0 $0x11B8D, s6;
	s7 =	sshll.u32 @p0 s5, $0x11  }
0xaa: {  	s6 =	sor.u32 @p0 s7, s6  }
0xab: {  	[sflag:s6] =	ssyncadd.remote.s32 @p0 $0x1;
	_ =	sdelay $0x1  }
0xac: {  	s6 =	simm.s32 @p0 $0x1B8D  }
0xad: {  	_ =	swait.eq @p0 [sflag:s6], $0x1  }
0xae: {  	[sflag:s6] =	ssyncadd.s32 @p0 $0xFFFFFFFF  }
0xaf: {  	s7 =	sshll.u32 @!p0 s1, $0xE  }
0xb0: {  	s7 =	sor.u32 @!p0 $0x4000, s7;
	s6 =	simm.s32 @!p0 $0x1B8D  }
0xb1: {  	s5 =	sshll.u32 @!p0 s5, $0x11;
	s7 =	sadd.s32 @!p0 $0x11B8D, s7;
	_ =	swait.eq @!p0 [sflag:s6], $0x1  }
0xb2: {  	s5 =	sor.u32 @!p0 s5, s7;
	[sflag:s6] =	ssyncadd.s32 @!p0 $0xFFFFFFFF  }
0xb3: {  	s25 =	simm.s32 $0x1B8E;
	s24 =	sld [smem:$0x3FFE];
	[sflag:s5] =	ssyncadd.remote.s32 @!p0 $0x1  }
0xb4: {  	s26 =	simm.s32 $execute0_lowered;
	[smem:$0x3FD2] =	sst s25  }
0xb5: {  	s6 =	sshll.u32 s26, $0x1;
	_ =	strace $0x8000004C;
	[dreg:$0x1] =	wrdreg $0xFFFFFFFF  }
0xb6: {  	s28 =	simm.s32 $_size_execute0_lowered;
	s4 =	sadd.s32 s4, s6;
	[dreg:$0x0] =	wrdreg $0x0  }
0xb7: {  	s6 =	sshll.u32 s28, $0x1;
	[dreg:$0x2] =	wrdreg s4  }
0xb8: {  	[dreg:$0x3] =	wrdreg s6  }
0xb9: {  	[dreg:$0x4] =	wrdreg $0xC0  }
0xba: {  	_ =	task [dreg:s22], $0x5FFFF  }
0xbb: {  	[dreg:$0x1] =	wrdreg $0xFFFFFFFF  }
0xbc: {  	[dreg:$0x0] =	wrdreg $0x60  }
0xbd: {  	[dreg:$0x2] =	wrdreg s24  }
0xbe: {  	[dreg:$0x3] =	wrdreg s18  }
0xbf: {  	[dreg:$0x4] =	wrdreg $0xA  }
0xc0: {  	_ =	task.clear_ibuf [dreg:s22], $0x5FFFF;
	_ =	strace $0x9000004C  }
0xc1: {  	s29 =	simm.s32 $0xA;
	_ =	strace $0x8000004E  }
0xc2: {  	_ =	swait.ge [sflag:s29], $0x1  }
0xc3: {  	[sflag:s29] =	ssyncadd.s32 $0xFFFFFFFF  }
0xc4: {  	_ =	strace $0x9000004E  }
0xc5: {  	_ =	sfence  }
0xc6: {  	s30 =	sld [smem:$0x0];
	_ =	sdelay $0x2  }
0xc7: {  	s31 =	sshll.u32 s1, $0xD;
	s1 =	sshrl.u32 s1, $0x2  }
0xc8: {  	s4 =	sand.u32 $0x4000, s31;
	s1 =	sadd.s32 s1, s30  }
0xc9: {  	s0 =	sor.u32 s4, s0;
	s1 =	sshll.u32 s1, $0x11  }
0xca: {  	s0 =	sor.u32 s1, s0  }
0xcb: {  	s0 =	sadd.s32 $0x8F2B, s0  }
0xcc: {  	[sflag:s0] =	ssyncadd.remote.s32 $0x1  }
0xcd: {  	_ =	sfence.sel $0xFFFF  }
0xce: {  	[dreg:$0x0] =	wrdreg $0xFFFFFFFF;
	(pc) =	sbr.abs _section_cstart, $3  }
0xcf: {  	[dreg:$0x1] =	wrdreg $0xFFFFFFFF  }
0xd0: {  	_ =	task.clear_ibuf [dreg:s22], $0x2FFFF;
	_ =	strace $0x9FFFFFFF  }
0xd1: {  	(tm) =	ssettm $0x7FFFFFFF  }
tec
execute0_lowered:
.L_overlay_start_1:
0x0: {  	(tag) =	ssettag $0x1  }
0x1: {  	s0 =	rddreg [dreg:$0x0]  }
0x2: {  	s1 =	rddreg [dreg:$0x1]  }
0x3: {  	s3 =	srdreg.scid;
	s11 =	stileid.u32  }
0x4: {  	s2 =	simm.s32 $0x0;
	s12 =	simm.s32 $0x1080;
	s13 =	simm.s32 $0x1880  }
0x5: {  	s14 =	simm.s32 $0x2080;
	s15 =	simm.s32 $0x2880;
	s16 =	simm.s32 $0x3080  }
0x6: {  	s17 =	simm.s32 $0x3880;
	s18 =	simm.s32 $0x4080;
	s19 =	simm.s32 $0x4880  }
0x7: {  	s20 =	simm.s32 $0x5080;
	s21 =	simm.s32 $0x5880;
	s22 =	simm.s32 $0x6080  }
0x8: {  	s29 =	simm.s32 $0x8100;
	s30 =	simm.s32 $0x8900;
	s31 =	simm.s32 $0x0  }
0x9: {  	s6 =	sand.u32 $0x1, s3;
	s23 =	sshll.u32 s11, $0x1;
	s9 =	smul.u32 $0x4E20, s11  }
0xa: {  	[smem:$0x7FF] =	sst s2;
	s25 =	smul.u32 $0x9C400, s11;
	s11 =	simm.s32 $0x880  }
0xb: {  	s3 =	sor.u32 s6, s23;
	_ =	strace $0x8000004D;
	s10 =	smul.u32 $0x2710, s6  }
0xc: {  	s5 =	ssub.s32 $0x2, s6;
	s26 =	smul.u32 $0x4E200, s6;
	s23 =	simm.s32 $0x6880  }
0xd: {  	s4 =	smul.u32 $0x2710, s3;
	s3 =	sadd.s32 $0x55DC00, s0;
	s7 =	sshrl.u32 s5, $0x1  }
0xe: {  	s0 =	sadd.s32 $0x5ABE00, s0;
	s7 =	ssub.s32 s5, s7;
	s9 =	sadd.s32 s10, s9  }
0xf: {  	s10 =	simm.s32 $0x80;
	s8 =	sadd.s32 $0x2700, s4;
	s6 =	smax.u32 s7, $0x1  }
0x10: {  	s28 =	sshrl.u32 s9, $0x3;
	s9 =	simm.s32 $0x2;
	s4 =	sshrl.u32 s8, $0x3  }
0x11: {  	v2 =	vlaneseq.u32;
	s24 =	sshll.u32 s8, $0x5;
	s8 =	sadd.s32 s28, s1;
	s4 =	sadd.s32 s1, s4  }
0x12: {  	vm0 =	vmmov $0xffff;
	v1 =	vshrl.u32 v2, $0x3;
	s5 =	sadd.s32 s0, s24;
	s0 =	sadd.s32 s25, s0;
	s24 =	simm.s32 $0x7080  }
0x13: {  	v0 =	vand.u32 $0x7, v2;
	v2 =	vor.u32 $0x8, v2;
	v1 =	vmul.u32 $0x8, v1;
	s25 =	simm.s32 $0x7880;
	s0 =	sadd.s32 s26, s0;
	s26 =	simm.s32 $0x1  }
.LBB2_1:
0x14: {  	s7 =	smov.u32 s0;
	s1 =	simm.s32 $0x0  }
.LBB2_2:
0x15: {  	s28 =	sadd.s32 s1, s8  }
0x16: {  	[tilespmem:s2], [sflag:$0x2] =	stream.linear.gather [hbm4b:s28+s2], $0x80, $0x38;
	[tilespmem:$0x9100] =	vst v63  }
0x17: {  	_ =	swait.ge [sflag:s9], $0x80  }
0x18: {  	[sflag:s9] =	ssyncset.done $0x0  }
0x19: {  	[sflag:s9] =	ssyncadd.s32 $0xFFFFFF80  }
0x1a: {  	v3 =	vld [tilespmem:$0x0];
	_ =	sdelay $0x4  }
0x1b: {  	v4 =	vshll.u32 v3, $0x1  }
0x1c: {  	v3 =	vand.u32 $0x7, v3;
	v4 =	vand.u32 $0xFFFFFFF0, v4  }
0x1d: {  	v3 =	vor.u32 v3, v4  }
0x1e: {  	v4 =	vperm.xlane v3, v0;
	_ =	sdelay $0x1  }
0x1f: {  	v3 =	vperm.xlane v3, v2;
	v4 =	vadd.s32 v1, v4;
	_ =	sdelay $0x1  }
0x20: {  	v3 =	vadd.s32 v1, v3;
	_ =	sdelay $0x2  }
0x21: {  	[tilespmem:s10], [sflag:$0x1] =	stream.indirect_vreg.gather [hbm4b:s3+s2], $0x80, v4, vm0, $0xb8;
	[tilespmem:$0x9100] =	vst v63  }
0x22: {  	_ = 	snop  }
0x23: {  	[tilespmem:s11], [sflag:$0x1] =	stream.indirect_vreg.gather [hbm4b:s3+s2], $0x80, v3, vm0, $0xb8;
	[tilespmem:$0x9100] =	vst v63  }
0x24: {  	v3 =	vld [tilespmem:$0x10];
	_ =	sdelay $0x4  }
0x25: {  	v57 =	vshll.u32 v3, $0x1  }
0x26: {  	v3 =	vand.u32 $0x7, v3;
	v4 =	vand.u32 $0xFFFFFFF0, v57  }
0x27: {  	v3 =	vor.u32 v3, v4  }
0x28: {  	v4 =	vperm.xlane v3, v0;
	_ =	sdelay $0x1  }
0x29: {  	v3 =	vperm.xlane v3, v2;
	v4 =	vadd.s32 v1, v4;
	_ =	sdelay $0x1  }
0x2a: {  	v3 =	vadd.s32 v1, v3;
	_ =	sdelay $0x2  }
0x2b: {  	[tilespmem:s12], [sflag:$0x1] =	stream.indirect_vreg.gather [hbm4b:s3+s2], $0x80, v4, vm0, $0xb8;
	[tilespmem:$0x9100] =	vst v63  }
0x2c: {  	_ = 	snop  }
0x2d: {  	[tilespmem:s13], [sflag:$0x1] =	stream.indirect_vreg.gather [hbm4b:s3+s2], $0x80, v3, vm0, $0xb8;
	[tilespmem:$0x9100] =	vst v63  }
0x2e: {  	v3 =	vld [tilespmem:$0x20];
	_ =	sdelay $0x4  }
0x2f: {  	v58 =	vshll.u32 v3, $0x1  }
0x30: {  	v3 =	vand.u32 $0x7, v3;
	v4 =	vand.u32 $0xFFFFFFF0, v58  }
0x31: {  	v3 =	vor.u32 v3, v4  }
0x32: {  	v4 =	vperm.xlane v3, v0;
	_ =	sdelay $0x1  }
0x33: {  	v3 =	vperm.xlane v3, v2;
	v4 =	vadd.s32 v1, v4;
	_ =	sdelay $0x1  }
0x34: {  	v3 =	vadd.s32 v1, v3;
	_ =	sdelay $0x2  }
0x35: {  	[tilespmem:s14], [sflag:$0x1] =	stream.indirect_vreg.gather [hbm4b:s3+s2], $0x80, v4, vm0, $0xb8;
	[tilespmem:$0x9100] =	vst v63  }
0x36: {  	_ = 	snop  }
0x37: {  	[tilespmem:s15], [sflag:$0x1] =	stream.indirect_vreg.gather [hbm4b:s3+s2], $0x80, v3, vm0, $0xb8;
	[tilespmem:$0x9100] =	vst v63  }
0x38: {  	v3 =	vld [tilespmem:$0x30];
	_ =	sdelay $0x4  }
0x39: {  	v59 =	vshll.u32 v3, $0x1  }
0x3a: {  	v3 =	vand.u32 $0x7, v3;
	v4 =	vand.u32 $0xFFFFFFF0, v59  }
0x3b: {  	v3 =	vor.u32 v3, v4  }
0x3c: {  	v4 =	vperm.xlane v3, v0;
	_ =	sdelay $0x1  }
0x3d: {  	v3 =	vperm.xlane v3, v2;
	v4 =	vadd.s32 v1, v4;
	_ =	sdelay $0x1  }
0x3e: {  	v3 =	vadd.s32 v1, v3;
	_ =	sdelay $0x2  }
0x3f: {  	[tilespmem:s16], [sflag:$0x1] =	stream.indirect_vreg.gather [hbm4b:s3+s2], $0x80, v4, vm0, $0xb8;
	[tilespmem:$0x9100] =	vst v63  }
0x40: {  	_ = 	snop  }
0x41: {  	[tilespmem:s17], [sflag:$0x1] =	stream.indirect_vreg.gather [hbm4b:s3+s2], $0x80, v3, vm0, $0xb8;
	[tilespmem:$0x9100] =	vst v63  }
0x42: {  	v3 =	vld [tilespmem:$0x40];
	_ =	sdelay $0x4  }
0x43: {  	v60 =	vshll.u32 v3, $0x1  }
0x44: {  	v3 =	vand.u32 $0x7, v3;
	v4 =	vand.u32 $0xFFFFFFF0, v60  }
0x45: {  	v3 =	vor.u32 v3, v4  }
0x46: {  	v4 =	vperm.xlane v3, v0;
	_ =	sdelay $0x1  }
0x47: {  	v3 =	vperm.xlane v3, v2;
	v4 =	vadd.s32 v1, v4;
	_ =	sdelay $0x1  }
0x48: {  	v3 =	vadd.s32 v1, v3;
	_ =	sdelay $0x2  }
0x49: {  	[tilespmem:s18], [sflag:$0x1] =	stream.indirect_vreg.gather [hbm4b:s3+s2], $0x80, v4, vm0, $0xb8;
	[tilespmem:$0x9100] =	vst v63  }
0x4a: {  	_ = 	snop  }
0x4b: {  	[tilespmem:s19], [sflag:$0x1] =	stream.indirect_vreg.gather [hbm4b:s3+s2], $0x80, v3, vm0, $0xb8;
	[tilespmem:$0x9100] =	vst v63  }
0x4c: {  	v3 =	vld [tilespmem:$0x50];
	_ =	sdelay $0x4  }
0x4d: {  	v61 =	vshll.u32 v3, $0x1  }
0x4e: {  	v3 =	vand.u32 $0x7, v3;
	v4 =	vand.u32 $0xFFFFFFF0, v61  }
0x4f: {  	v3 =	vor.u32 v3, v4  }
0x50: {  	v4 =	vperm.xlane v3, v0;
	_ =	sdelay $0x1  }
0x51: {  	v3 =	vperm.xlane v3, v2;
	v4 =	vadd.s32 v1, v4;
	_ =	sdelay $0x1  }
0x52: {  	v3 =	vadd.s32 v1, v3;
	_ =	sdelay $0x2  }
0x53: {  	[tilespmem:s20], [sflag:$0x1] =	stream.indirect_vreg.gather [hbm4b:s3+s2], $0x80, v4, vm0, $0xb8;
	[tilespmem:$0x9100] =	vst v63  }
0x54: {  	_ = 	snop  }
0x55: {  	[tilespmem:s21], [sflag:$0x1] =	stream.indirect_vreg.gather [hbm4b:s3+s2], $0x80, v3, vm0, $0xb8;
	[tilespmem:$0x9100] =	vst v63  }
0x56: {  	v3 =	vld [tilespmem:$0x60];
	_ =	sdelay $0x4  }
0x57: {  	v62 =	vshll.u32 v3, $0x1  }
0x58: {  	v3 =	vand.u32 $0x7, v3;
	v4 =	vand.u32 $0xFFFFFFF0, v62  }
0x59: {  	v3 =	vor.u32 v3, v4  }
0x5a: {  	v4 =	vperm.xlane v3, v0;
	_ =	sdelay $0x1  }
0x5b: {  	v3 =	vperm.xlane v3, v2;
	v4 =	vadd.s32 v1, v4;
	_ =	sdelay $0x1  }
0x5c: {  	v3 =	vadd.s32 v1, v3;
	_ =	sdelay $0x2  }
0x5d: {  	[tilespmem:s22], [sflag:$0x1] =	stream.indirect_vreg.gather [hbm4b:s3+s2], $0x80, v4, vm0, $0xb8;
	[tilespmem:$0x9100] =	vst v63  }
0x5e: {  	_ = 	snop  }
0x5f: {  	[tilespmem:s23], [sflag:$0x1] =	stream.indirect_vreg.gather [hbm4b:s3+s2], $0x80, v3, vm0, $0xb8;
	[tilespmem:$0x9100] =	vst v63  }
0x60: {  	v3 =	vld [tilespmem:$0x70];
	_ =	sdelay $0x4  }
0x61: {  	v63 =	vshll.u32 v3, $0x1  }
0x62: {  	v3 =	vand.u32 $0x7, v3;
	v4 =	vand.u32 $0xFFFFFFF0, v63  }
0x63: {  	v3 =	vor.u32 v3, v4  }
0x64: {  	v4 =	vperm.xlane v3, v0;
	_ =	sdelay $0x1  }
0x65: {  	v3 =	vperm.xlane v3, v2;
	v4 =	vadd.s32 v1, v4;
	_ =	sdelay $0x1  }
0x66: {  	v3 =	vadd.s32 v1, v3;
	_ =	sdelay $0x2  }
0x67: {  	[tilespmem:s24], [sflag:$0x1] =	stream.indirect_vreg.gather [hbm4b:s3+s2], $0x80, v4, vm0, $0xb8;
	[tilespmem:$0x9100] =	vst v63  }
0x68: {  	_ = 	snop  }
0x69: {  	[tilespmem:s25], [sflag:$0x1] =	stream.indirect_vreg.gather [hbm4b:s3+s2], $0x80, v3, vm0, $0xb8;
	[tilespmem:$0x9100] =	vst v63  }
0x6a: {  	_ =	swait.ge [sflag:s26], $0x8000  }
0x6b: {  	p0 =	sne.s32 s1, $0x4D0;
	[sflag:s26] =	ssyncset.done $0x0  }
.Ltmp0:
0x6c: {  	[sflag:s26] =	ssyncadd.s32 $0xFFFF8000;
	(pc) =	sbr.rel @p0 .LBB2_2-.Ltmp0, $4  }
0x6d: {  	[hbm4b:s7+s2] =	stream.linear.scatter [tilespmem:s10], [sflag:$0x2], $0x8000, $0x38;
	[tilespmem:$0x9100] =	vst v63  }
0x6e: {  	_ =	swait.ge [sflag:s9], $0x8000  }
0x6f: {  	[sflag:s9] =	ssyncset.done $0x0  }
0x70: {  	s1 =	sadd.s32 $0x10, s1;
	s7 =	sadd.s32 $0x1000, s7;
	[sflag:s9] =	ssyncadd.s32 $0xFFFF8000  }
0x71: {  	s1 =	simm.s32 $0x8080  }
0x72: {  	[tilespmem:s1], [sflag:$0x2] =	stream.linear.gather [hbm4b:s4+s2], $0x10, $0x38;
	[tilespmem:$0x9100] =	vst v63  }
0x73: {  	_ =	swait.ge [sflag:s9], $0x10  }
0x74: {  	[sflag:s9] =	ssyncset.done $0x0  }
0x75: {  	[sflag:s9] =	ssyncadd.s32 $0xFFFFFFF0  }
0x76: {  	v3 =	vld [tilespmem:$0x8080];
	_ =	sdelay $0x4  }
0x77: {  	v4 =	vshll.u32 v3, $0x1  }
0x78: {  	v3 =	vand.u32 $0x7, v3;
	v4 =	vand.u32 $0xFFFFFFF0, v4  }
0x79: {  	v3 =	vor.u32 v3, v4  }
0x7a: {  	v4 =	vperm.xlane v3, v0;
	_ =	sdelay $0x1  }
0x7b: {  	v3 =	vperm.xlane v3, v2;
	v4 =	vadd.s32 v1, v4;
	_ =	sdelay $0x1  }
0x7c: {  	v3 =	vadd.s32 v1, v3;
	_ =	sdelay $0x2  }
0x7d: {  	[tilespmem:s29], [sflag:$0x1] =	stream.indirect_vreg.gather [hbm4b:s3+s2], $0x80, v4, vm0, $0xb8;
	[tilespmem:$0x9100] =	vst v63  }
0x7e: {  	_ = 	snop  }
0x7f: {  	[tilespmem:s30], [sflag:$0x1] =	stream.indirect_vreg.gather [hbm4b:s3+s2], $0x80, v3, vm0, $0xb8;
	[tilespmem:$0x9100] =	vst v63  }
0x80: {  	s31 =	sadd.s32 $0x1, s31;
	_ =	swait.ge [sflag:s26], $0x1000  }
0x81: {  	p0 =	sne.s32 s31, s6;
	[sflag:s26] =	ssyncset.done $0x0  }
.Ltmp1:
0x82: {  	[sflag:s26] =	ssyncadd.s32 $0xFFFFF000;
	(pc) =	sbr.rel @p0 .LBB2_1-.Ltmp1, $4  }
0x83: {  	[hbm4b:s5+s2] =	stream.linear.scatter [tilespmem:s29], [sflag:$0x2], $0x1000, $0x38;
	[tilespmem:$0x9100] =	vst v63  }
0x84: {  	_ =	swait.ge [sflag:s9], $0x1000  }
0x85: {  	[sflag:s9] =	ssyncset.done $0x0  }
0x86: {  	[sflag:s9] =	ssyncadd.s32 $0xFFFFF000  }
0x87: {  	_ =	sfence.sel $0x180000  }
0x88: {  	[bflag:$0x0] =	sbarrier.arrive $0xFFFF  }
0x89: {  	_ =	strace $0x9000004D  }
0x8a: {  	s0 =	stileid.u32;
	[bflag:$0x2] =	sbarrier.arrive $0xFFFF  }
0x8b: {  	p0 =	sne.s32 s0, $0x0;
	s0 =	rddreg [dreg:$0x2]  }
0x8c: {  	s0 =	sadd.s32 @!p0 $0x100000, s0  }
0x8d: {  	[sflag:s0] =	ssyncadd.tile.s32 @!p0 $0x1;
	_ =	shalt  }
.Lfunc_end2:
_tile_overlayer_lowered:
.L_overlay_start_2:
0x8e: {  	(tag) =	ssettag $0x2  }
0x8f: {  	s0 =	rddreg [dreg:$0x0];
	s2 =	stileid.u32  }
0x90: {  	s1 =	rddreg [dreg:$0x1];
	p0 =	sne.s32 s2, $0x0  }
0x91: {  	s3 =	rddreg [dreg:$0x2];
	[bflag:$0x3] =	sbarrier.arrive $0xFFFF;
	s2 =	simm.s32 @!p0 $0x1C02  }
0x92: {  	[timem:s3], [sflag:s2] =	dma.local @!p0 [hbm:s0], s1  }
0x93: {  	s0 =	simm.s32 @!p0 $0x2  }
0x94: {  	_ =	swait.ge @!p0 [sflag:s0], s1  }
0x95: {  	s1 =	ssub.s32 @!p0 $0x0, s1;
	[sflag:s0] =	ssyncset.done @!p0 $0x0  }
0x96: {  	[sflag:s0] =	ssyncadd.s32 @!p0 s1  }
0x97: {  	[bflag:$0x3] =	sbarrier.arrive $0xFFFF  }
0x98: {  	_ =	shalt  }

// kernel: kernel.15.cloned.1.call-start
scs
__scs_entry_jumppad:
0x0: {  	(pc) =	sbr.rel $0x88, $3  }
0x1: {  	(tag) =	ssettag $0x0;
	lr =	simm.s32 $0x1  }
0x2: {  	[smem:$0x3F8D] =	sst lr;
	_ =	strace $0xD0000000  }
0x3: {  	_ = 	snop  }
0x4: {  	_ = 	snop  }
0x5: {  	_ = 	snop  }
0x6: {  	_ = 	snop  }
0x7: {  	_ = 	snop  }
__scs_overlays_trampoline_lowered:
0x8: {  	[smem:$0x3F9C] =	sst s0  }
0x9: {  	[smem:$0x3F9D] =	sst s1  }
0xa: {  	[smem:$0x3F9E] =	sst s2  }
0xb: {  	[smem:$0x3F9F] =	sst s3  }
0xc: {  	[smem:$0x3FA0] =	sst s4  }
0xd: {  	[smem:$0x3FA1] =	sst s5  }
0xe: {  	[smem:$0x3FA2] =	sst s6  }
0xf: {  	[smem:$0x3FA3] =	sst s7  }
0x10: {  	[smem:$0x3FA4] =	sst s8  }
0x11: {  	[smem:$0x3FA5] =	sst s9;
	s0 =	simm.s32 @!p0 $0x0  }
0x12: {  	s1 =	sld [smem:$0x3F8B];
	s0 =	simm.s32 @p0 $0x1  }
0x13: {  	[smem:$0x3FA6] =	sst s0;
	s0 =	simm.s32 @!p1 $0x0  }
0x14: {  	s2 =	sld [smem:$0x3F8A];
	s0 =	simm.s32 @p1 $0x1  }
0x15: {  	[smem:$0x3FA7] =	sst s0;
	s0 =	simm.s32 @!p2 $0x0  }
0x16: {  	s3 =	sld [smem:$0x3FDB];
	s0 =	simm.s32 @p2 $0x1  }
0x17: {  	s4 =	simm.s32 $0x1BF5;
	[smem:$0x3FA9] =	sst s0  }
0x18: {  	s0 =	sld [smem:$0x3F8C];
	_ =	swait.ge [sflag:s4], $0x0  }
0x19: {  	s7 =	sld [smem:$0x3F8D]  }
0x1a: {  	s8 =	sadd.s32 $0xFFFFE003, lr  }
0x1b: {  	s9 =	sadd.s32 $0xFFFFFEF7, lr;
	s5 =	simm.s32 $0xFFFFFFFF;
	p2 =	slt.u32 s8, $0xFFFFF086  }
0x1c: {  	p1 =	slt.u32 s9, $0xF7A;
	s5 =	simm.s32 @!p2 $0x0  }
0x1d: {  	s5 =	simm.s32 @p1 $0x1;
	p0 =	seq.s32 s7, s2  }
0x1e: {  	s7 =	smul.u32 @!p0 $0xF7A, s2;
	p2 =	seq.s32 @!p0 s5, $0x0  }
0x1f: {  	s9 =	smul.u32 $0xF7A, s1;
	s8 =	simm.s32 @!p0 $0x1BF5;
	p2 =	por !p2, p0  }
0x20: {  	[sflag:s8] =	ssyncset.s32 @!p0 $0xFFFFF086;
	s6 =	sadd.s32 @!p0 s3, s7;
	s7 =	simm.s32 @!p0 $0x108  }
0x21: {  	s3 =	sadd.s32 s3, s9;
	s6 =	sadd.s32 @!p0 $0x88, s6;
	s7 =	simm.s32 @p2 $0x1082  }
0x22: {  	[simem:s7], [sflag:s8] =	dma.local @!p0 [hbm:s6], $0xF7A  }
0x23: {  	s9 =	sor.u32 $0xD0000000, s2;
	s6 =	simm.s32 $0x108;
	_ =	swait.ge @!p0 [sflag:s8], $0x0  }
0x24: {  	s3 =	sadd.s32 $0x88, s3;
	s6 =	simm.s32 @!p1 $0x1082;
	[sflag:s4] =	ssyncset.s32 $0xFFFFF086  }
0x25: {  	[simem:s6], [sflag:s4] =	dma.local [hbm:s3], $0xF7A  }
0x26: {  	[smem:$0x3F8D] =	sst s1;
	(tag) =	ssettag s2;
	_ =	strace s9  }
0x27: {  	s1 =	sld [smem:$0x3F9D]  }
0x28: {  	s2 =	sld [smem:$0x3F9E]  }
0x29: {  	s4 =	sld [smem:$0x3FA0]  }
0x2a: {  	p0 =	seq.s32 s5, $0x0;
	s5 =	sld [smem:$0x3FA1]  }
0x2b: {  	s6 =	sld [smem:$0x3FA2]  }
0x2c: {  	s7 =	sld [smem:$0x3FA3]  }
0x2d: {  	s3 =	simm.s32 $0x108;
	s8 =	sld [smem:$0x3FA4]  }
0x2e: {  	s3 =	simm.s32 @!p0 $0x1082;
	s9 =	sld [smem:$0x3FA5]  }
0x2f: {  	lr =	sadd.s32 s0, s3;
	s0 =	sld [smem:$0x3F9C]  }
0x30: {  	s3 =	sld [smem:$0x3F9F]  }
0x31: {  	[smem:$0x3FA8] =	sst s10  }
0x32: {  	s10 =	sld [smem:$0x3FA6];
	_ =	sdelay $0x3  }
0x33: {  	p0 =	seq.s32 s10, $0x1;
	s10 =	sld [smem:$0x3FA8];
	_ =	sdelay $0x3  }
0x34: {  	[smem:$0x3FA8] =	sst s10  }
0x35: {  	s10 =	sld [smem:$0x3FA7];
	_ =	sdelay $0x3  }
0x36: {  	p1 =	seq.s32 s10, $0x1;
	s10 =	sld [smem:$0x3FA8];
	_ =	sdelay $0x3  }
0x37: {  	[smem:$0x3FA8] =	sst s10  }
0x38: {  	s10 =	sld [smem:$0x3FA9]  }
0x39: {  	_ = 	snop;
	(pc) =	sbr.ind lr, $3  }
0x3a: {  	_ = 	snop  }
0x3b: {  	_ = 	snop  }
0x3c: {  	p2 =	seq.s32 s10, $0x1;
	s10 =	sld [smem:$0x3FA8]  }
0x3d: {  	_ =	shalt  }
0x3e: {  	_ =	shalt  }
0x3f: {  	_ =	shalt  }
0x40: {  	_ =	shalt  }
0x41: {  	_ =	shalt  }
0x42: {  	_ =	shalt  }
0x43: {  	_ =	shalt  }
0x44: {  	_ =	shalt  }
0x45: {  	_ =	shalt  }
0x46: {  	_ =	shalt  }
0x47: {  	_ =	shalt  }
0x48: {  	_ =	shalt  }
0x49: {  	_ =	shalt  }
0x4a: {  	_ =	shalt  }
0x4b: {  	_ =	shalt  }
0x4c: {  	_ =	shalt  }
0x4d: {  	_ =	shalt  }
0x4e: {  	_ =	shalt  }
0x4f: {  	_ =	shalt  }
0x50: {  	_ =	shalt  }
0x51: {  	_ =	shalt  }
0x52: {  	_ =	shalt  }
0x53: {  	_ =	shalt  }
0x54: {  	_ =	shalt  }
0x55: {  	_ =	shalt  }
0x56: {  	_ =	shalt  }
0x57: {  	_ =	shalt  }
0x58: {  	_ =	shalt  }
0x59: {  	_ =	shalt  }
0x5a: {  	_ =	shalt  }
0x5b: {  	_ =	shalt  }
0x5c: {  	_ =	shalt  }
0x5d: {  	_ =	shalt  }
0x5e: {  	_ =	shalt  }
0x5f: {  	_ =	shalt  }
0x60: {  	_ =	shalt  }
0x61: {  	_ =	shalt  }
0x62: {  	_ =	shalt  }
0x63: {  	_ =	shalt  }
0x64: {  	_ =	shalt  }
0x65: {  	_ =	shalt  }
0x66: {  	_ =	shalt  }
0x67: {  	_ =	shalt  }
0x68: {  	_ =	shalt  }
0x69: {  	_ =	shalt  }
0x6a: {  	_ =	shalt  }
0x6b: {  	_ =	shalt  }
0x6c: {  	_ =	shalt  }
0x6d: {  	_ =	shalt  }
0x6e: {  	_ =	shalt  }
0x6f: {  	_ =	shalt  }
0x70: {  	_ =	shalt  }
0x71: {  	_ =	shalt  }
0x72: {  	_ =	shalt  }
0x73: {  	_ =	shalt  }
0x74: {  	_ =	shalt  }
0x75: {  	_ =	shalt  }
0x76: {  	_ =	shalt  }
0x77: {  	_ =	shalt  }
0x78: {  	_ =	shalt  }
0x79: {  	_ =	shalt  }
0x7a: {  	_ =	shalt  }
0x7b: {  	_ =	shalt  }
0x7c: {  	_ =	shalt  }
0x7d: {  	_ =	shalt  }
0x7e: {  	_ =	shalt  }
0x7f: {  	_ =	shalt  }
0x80: {  	_ =	shalt  }
0x81: {  	_ =	shalt  }
0x82: {  	_ =	shalt  }
0x83: {  	_ =	shalt  }
0x84: {  	_ =	shalt  }
0x85: {  	_ =	shalt  }
0x86: {  	_ =	shalt  }
0x87: {  	_ =	shalt  }
.Lfunc_end0:
.L_simem_size_0:
called_computation.2_lowered:
.L_overlay_start_0:
0x88: {  	s2 =	sld [smem:$0x3FD9]  }
0x89: {  	s3 =	sld [smem:$0x3FFE];
	_ =	sdelay $0x1  }
0x8a: {  	s1 =	srdreg.scid  }
0x8b: {  	s0 =	sand.u32 $0x1, s1  }
0x8c: {  	s17 =	sshll.u32 s0, $0xA;
	s2 =	sadd.s32 s3, s2  }
0x8d: {  	s2 =	sadd.s32 s2, s17  }
0x8e: {  	[smem:$0x3FB4] =	sst s2  }
0x8f: {  	_ = 	snop  }
0x90: {  	s18 =	sld [smem:$0x3FC8]  }
0x91: {  	s4 =	sld [smem:$0x3FD0];
	(tm) =	ssettm $0x1  }
0x92: {  	s19 =	sld [smem:$0x3FFB];
	_ =	sdelay $0x3  }
0x93: {  	_ =	strace s19  }
0x94: {  	s2 =	sld [smem:$0x3FFC];
	_ =	sdelay $0x3  }
0x95: {  	_ =	strace s2  }
0x96: {  	s2 =	sld [smem:$0x3FFD];
	_ =	sdelay $0x3  }
0x97: {  	_ =	strace s2  }
0x98: {  	_ =	strace $0x8FFFFFFF  }
0x99: {  	s20 =	sld [smem:$0x3FDB];
	_ =	sdelay $0x1  }
0x9a: {  	s5 =	simm.s32 $_scs_section_size  }
0x9b: {  	s6 =	simm.s32 $_size__tile_overlayer_lowered;
	s7 =	simm.s32 $_tile_overlayer_lowered  }
0x9c: {  	s8 =	simm.s32 $0x1BFF;
	s21 =	sshll.u32 s7, $0x1;
	s5 =	sadd.s32 s5, s20  }
0x9d: {  	s22 =	simm.s32 $0x0;
	s6 =	sshll.u32 s6, $0x1;
	s7 =	sadd.s32 s21, s5  }
0x9e: {  	[timem:s22], [sflag:s8] =	dma.local [hbm:s7], s6  }
0x9f: {  	_ =	swait.ge [sflag:s8], s6  }
0xa0: {  	s6 =	ssub.s32 $0x0, s6;
	[sflag:s8] =	ssyncset.done $0x0  }
0xa1: {  	[sflag:s8] =	ssyncadd.s32 s6;
	_ =	sdelay $0x1  }
0xa2: {  	s23 =	simm.s32 $0x1B8B  }
0xa3: {  	_ =	swait.ge [sflag:s23], $0x1  }
0xa4: {  	[sflag:s23] =	ssyncset.done $0x0  }
0xa5: {  	[sflag:s23] =	ssyncadd.s32 $0xFFFFFFFF  }
0xa6: {  	s6 =	sld [smem:$0x0]  }
0xa7: {  	s7 =	sand.u32 $0xFFFFFFFE, s1  }
0xa8: {  	p0 =	sne.s32 s1, s7  }
0xa9: {  	s7 =	sshll.u32 @p0 s7, $0xE  }
0xaa: {  	s7 =	sadd.s32 @p0 $0x11B8D, s7;
	s8 =	sshll.u32 @p0 s6, $0x11  }
0xab: {  	s7 =	sor.u32 @p0 s8, s7  }
0xac: {  	[sflag:s7] =	ssyncadd.remote.s32 @p0 $0x1;
	_ =	sdelay $0x1  }
0xad: {  	s7 =	simm.s32 @p0 $0x1B8D  }
0xae: {  	_ =	swait.eq @p0 [sflag:s7], $0x1  }
0xaf: {  	[sflag:s7] =	ssyncadd.s32 @p0 $0xFFFFFFFF  }
0xb0: {  	s8 =	sshll.u32 @!p0 s1, $0xE  }
0xb1: {  	s8 =	sor.u32 @!p0 $0x4000, s8;
	s7 =	simm.s32 @!p0 $0x1B8D  }
0xb2: {  	s6 =	sshll.u32 @!p0 s6, $0x11;
	s8 =	sadd.s32 @!p0 $0x11B8D, s8;
	_ =	swait.eq @!p0 [sflag:s7], $0x1  }
0xb3: {  	s6 =	sor.u32 @!p0 s6, s8;
	[sflag:s7] =	ssyncadd.s32 @!p0 $0xFFFFFFFF  }
0xb4: {  	s25 =	simm.s32 $0x1B8E;
	s24 =	sld [smem:$0x3FFE];
	[sflag:s6] =	ssyncadd.remote.s32 @!p0 $0x1  }
0xb5: {  	s26 =	simm.s32 $execute0_lowered;
	[smem:$0x3FD2] =	sst s25  }
0xb6: {  	s7 =	sshll.u32 s26, $0x1;
	_ =	strace $0x80000049;
	[dreg:$0x1] =	wrdreg $0xFFFFFFFF  }
0xb7: {  	s28 =	simm.s32 $_size_execute0_lowered;
	s5 =	sadd.s32 s5, s7;
	[dreg:$0x0] =	wrdreg $0x0  }
0xb8: {  	s7 =	sshll.u32 s28, $0x1;
	[dreg:$0x2] =	wrdreg s5  }
0xb9: {  	[dreg:$0x3] =	wrdreg s7  }
0xba: {  	[dreg:$0x4] =	wrdreg $0xC0  }
0xbb: {  	_ =	task [dreg:s22], $0x5FFFF  }
0xbc: {  	[dreg:$0x1] =	wrdreg $0xFFFFFFFF  }
0xbd: {  	[dreg:$0x0] =	wrdreg $0x60  }
0xbe: {  	[dreg:$0x2] =	wrdreg s4  }
0xbf: {  	[dreg:$0x3] =	wrdreg s18  }
0xc0: {  	[dreg:$0x4] =	wrdreg s24  }
0xc1: {  	[dreg:$0x5] =	wrdreg $0x9  }
0xc2: {  	_ =	task.clear_ibuf [dreg:s22], $0x6FFFF;
	_ =	strace $0x90000049  }
0xc3: {  	s29 =	simm.s32 $0x9;
	_ =	strace $0x8000004B  }
0xc4: {  	_ =	swait.ge [sflag:s29], $0x1  }
0xc5: {  	[sflag:s29] =	ssyncadd.s32 $0xFFFFFFFF  }
0xc6: {  	_ =	strace $0x9000004B  }
0xc7: {  	_ =	sfence  }
0xc8: {  	s30 =	sld [smem:$0x0];
	_ =	sdelay $0x2  }
0xc9: {  	s31 =	sshll.u32 s1, $0xD;
	s1 =	sshrl.u32 s1, $0x2  }
0xca: {  	s4 =	sand.u32 $0x4000, s31;
	s1 =	sadd.s32 s1, s30  }
0xcb: {  	s0 =	sor.u32 s4, s0;
	s1 =	sshll.u32 s1, $0x11  }
0xcc: {  	s0 =	sor.u32 s1, s0  }
0xcd: {  	s0 =	sadd.s32 $0x8F2B, s0  }
0xce: {  	[sflag:s0] =	ssyncadd.remote.s32 $0x1  }
0xcf: {  	_ =	sfence.sel $0xFFFF  }
0xd0: {  	[dreg:$0x0] =	wrdreg $0xFFFFFFFF;
	(pc) =	sbr.abs _section_cstart, $3  }
0xd1: {  	[dreg:$0x1] =	wrdreg $0xFFFFFFFF  }
0xd2: {  	_ =	task.clear_ibuf [dreg:s22], $0x2FFFF;
	_ =	strace $0x9FFFFFFF  }
0xd3: {  	(tm) =	ssettm $0x7FFFFFFF  }
tec
execute0_lowered:
.L_overlay_start_1:
0x0: {  	(tag) =	ssettag $0x1  }
0x1: {  	s1 =	rddreg [dreg:$0x0]  }
0x2: {  	s8 =	rddreg [dreg:$0x1];
	s2 =	srdreg.scid  }
0x3: {  	s0 =	stileid.u32;
	s4 =	rddreg [dreg:$0x2];
	s3 =	simm.s32 $0x0  }
0x4: {  	s14 =	simm.s32 $0x4100;
	s15 =	simm.s32 $0x0;
	s6 =	sand.u32 $0x1, s2  }
0x5: {  	s5 =	sshll.u32 s0, $0x1;
	s2 =	rddreg [dreg:$0x3];
	s10 =	smul.u32 $0x4E20, s0  }
0x6: {  	[smem:$0x7FF] =	sst s3;
	s7 =	sadd.s32 $0x7BC00, s4;
	s12 =	smul.u32 $0x4E200, s0  }
0x7: {  	s5 =	sor.u32 s6, s5;
	s29 =	ssub.s32 $0x2, s6;
	s11 =	smul.u32 $0x2710, s6  }
0x8: {  	_ =	strace $0x8000004A;
	s5 =	smul.u32 $0x2710, s5;
	s9 =	sshrl.u32 s29, $0x1  }
0x9: {  	s13 =	smul.u32 $0x27100, s6;
	s9 =	ssub.s32 s29, s9;
	s10 =	sadd.s32 s11, s10  }
0xa: {  	s11 =	simm.s32 $0x1;
	s5 =	sadd.s32 $0x2700, s5;
	s6 =	smax.u32 s9, $0x1  }
0xb: {  	s31 =	sshrl.u32 s10, $0x3;
	s9 =	simm.s32 $0x2;
	s30 =	sshrl.u32 s5, $0x3  }
0xc: {  	s10 =	simm.s32 $0x80;
	s5 =	sshll.u32 s5, $0x4;
	s4 =	sadd.s32 s8, s30  }
0xd: {  	s5 =	sadd.s32 s7, s5;
	s7 =	sadd.s32 s12, s7;
	s8 =	sadd.s32 s31, s8  }
0xe: {  	s12 =	simm.s32 $0x4080;
	s7 =	sadd.s32 s13, s7;
	s13 =	simm.s32 $0x10  }
.LBB2_1:
0xf: {  	s16 =	sadd.s32 $0x0, s8  }
0x10: {  	[tilespmem:s3], [sflag:$0x2] =	stream.linear.gather [hbm4b:s16+s3], $0x80, $0x38;
	[tilespmem:$0x4900] =	vst v63  }
0x11: {  	_ =	swait.ge [sflag:s9], $0x80  }
0x12: {  	[sflag:s9] =	ssyncset.done $0x0  }
0x13: {  	[sflag:s9] =	ssyncadd.s32 $0xFFFFFF80  }
0x14: {  	[tilespmem:s10], [sflag:$0x1] =	stream.indirect.gather [hbm4b:s1+s10], $0x80, s3, s10, $0xb8;
	[tilespmem:$0x4900] =	vst v63  }
0x15: {  	_ =	swait.ge [sflag:s11], $0x4000  }
0x16: {  	[sflag:s11] =	ssyncset.done $0x0  }
0x17: {  	[sflag:s11] =	ssyncadd.s32 $0xFFFFC000  }
0x18: {  	[hbm4b:s7+s3] =	stream.linear.scatter [tilespmem:s10], [sflag:$0x2], $0x4000, $0x38;
	[tilespmem:$0x4900] =	vst v63  }
0x19: {  	s17 =	simm.s32 $0x10;
	_ =	swait.ge [sflag:s9], $0x4000  }
0x1a: {  	s18 =	simm.s32 $0x20;
	s16 =	sadd.s32 $0x800, s7;
	[sflag:s9] =	ssyncset.done $0x0  }
.LBB2_2:
0x1b: {  	s19 =	sadd.s32 s17, s8  }
0x1c: {  	[sflag:s9] =	ssyncadd.s32 $0xFFFFC000;
	s17 =	smov.u32 s18;
	s20 =	sadd.s32 $0x10, s18  }
0x1d: {  	[tilespmem:s3], [sflag:$0x2] =	stream.linear.gather [hbm4b:s19+s3], $0x80, $0x38;
	[tilespmem:$0x4900] =	vst v63  }
0x1e: {  	p0 =	sne.s32 s18, $0x4D0;
	_ =	swait.ge [sflag:s9], $0x80  }
0x1f: {  	[sflag:s9] =	ssyncset.done $0x0  }
0x20: {  	[sflag:s9] =	ssyncadd.s32 $0xFFFFFF80  }
0x21: {  	[tilespmem:s10], [sflag:$0x1] =	stream.indirect.gather [hbm4b:s1+s10], $0x80, s3, s10, $0xb8;
	[tilespmem:$0x4900] =	vst v63  }
0x22: {  	_ =	swait.ge [sflag:s11], $0x4000  }
.Ltmp0:
0x23: {  	[sflag:s11] =	ssyncset.done $0x0;
	(pc) =	sbr.rel @p0 .LBB2_2-.Ltmp0, $4  }
0x24: {  	[sflag:s11] =	ssyncadd.s32 $0xFFFFC000  }
0x25: {  	[hbm4b:s16+s3] =	stream.linear.scatter [tilespmem:s10], [sflag:$0x2], $0x4000, $0x38;
	[tilespmem:$0x4900] =	vst v63  }
0x26: {  	_ =	swait.ge [sflag:s9], $0x4000  }
0x27: {  	s18 =	smov.u32 s20;
	s16 =	sadd.s32 $0x800, s16;
	[sflag:s9] =	ssyncset.done $0x0  }
0x28: {  	s17 =	sadd.s32 s17, s8;
	[sflag:s9] =	ssyncadd.s32 $0xFFFFC000  }
0x29: {  	[tilespmem:s3], [sflag:$0x2] =	stream.linear.gather [hbm4b:s17+s3], $0x80, $0x38;
	[tilespmem:$0x4900] =	vst v63  }
0x2a: {  	_ =	swait.ge [sflag:s9], $0x80  }
0x2b: {  	[sflag:s9] =	ssyncset.done $0x0  }
0x2c: {  	[sflag:s9] =	ssyncadd.s32 $0xFFFFFF80  }
0x2d: {  	[tilespmem:s10], [sflag:$0x1] =	stream.indirect.gather [hbm4b:s1+s10], $0x80, s3, s10, $0xb8;
	[tilespmem:$0x4900] =	vst v63  }
0x2e: {  	_ =	swait.ge [sflag:s11], $0x4000  }
0x2f: {  	[sflag:s11] =	ssyncset.done $0x0  }
0x30: {  	[sflag:s11] =	ssyncadd.s32 $0xFFFFC000  }
0x31: {  	[hbm4b:s16+s3] =	stream.linear.scatter [tilespmem:s10], [sflag:$0x2], $0x4000, $0x38;
	[tilespmem:$0x4900] =	vst v63  }
0x32: {  	_ =	swait.ge [sflag:s9], $0x4000  }
0x33: {  	[sflag:s9] =	ssyncset.done $0x0  }
0x34: {  	[sflag:s9] =	ssyncadd.s32 $0xFFFFC000  }
0x35: {  	[tilespmem:s12], [sflag:$0x2] =	stream.linear.gather [hbm4b:s4+s3], $0x10, $0x38;
	[tilespmem:$0x4900] =	vst v63  }
0x36: {  	_ =	swait.ge [sflag:s9], $0x10  }
0x37: {  	[sflag:s9] =	ssyncset.done $0x0  }
0x38: {  	[sflag:s9] =	ssyncadd.s32 $0xFFFFFFF0  }
0x39: {  	[tilespmem:s14], [sflag:$0x1] =	stream.indirect.gather [hbm4b:s1+s13], $0x80, s12, s13, $0xb8;
	[tilespmem:$0x4900] =	vst v63  }
0x3a: {  	s15 =	sadd.s32 $0x1, s15;
	_ =	swait.ge [sflag:s11], $0x800  }
0x3b: {  	p0 =	sne.s32 s15, s6;
	[sflag:s11] =	ssyncset.done $0x0  }
.Ltmp1:
0x3c: {  	[sflag:s11] =	ssyncadd.s32 $0xFFFFF800;
	(pc) =	sbr.rel @p0 .LBB2_1-.Ltmp1, $4  }
0x3d: {  	[hbm4b:s5+s3] =	stream.linear.scatter [tilespmem:s14], [sflag:$0x2], $0x800, $0x38;
	[tilespmem:$0x4900] =	vst v63  }
0x3e: {  	_ =	swait.ge [sflag:s9], $0x800  }
0x3f: {  	[sflag:s9] =	ssyncset.done $0x0  }
0x40: {  	[sflag:s9] =	ssyncadd.s32 $0xFFFFF800  }
0x41: {  	_ =	sfence.sel $0x180000  }
0x42: {  	[bflag:$0x0] =	sbarrier.arrive $0xFFFF  }
0x43: {  	p0 =	sne.s32 s0, $0x0;
	_ =	strace $0x9000004A  }
0x44: {  	s0 =	sadd.s32 @!p0 $0x100000, s2;
	[bflag:$0x2] =	sbarrier.arrive $0xFFFF  }
0x45: {  	[sflag:s0] =	ssyncadd.tile.s32 @!p0 $0x1;
	_ =	shalt  }
.Lfunc_end2:
_tile_overlayer_lowered:
.L_overlay_start_2:
0x46: {  	(tag) =	ssettag $0x2  }
0x47: {  	s0 =	rddreg [dreg:$0x0];
	s2 =	stileid.u32  }
0x48: {  	s1 =	rddreg [dreg:$0x1];
	p0 =	sne.s32 s2, $0x0  }
0x49: {  	s3 =	rddreg [dreg:$0x2];
	[bflag:$0x3] =	sbarrier.arrive $0xFFFF;
	s2 =	simm.s32 @!p0 $0x1C02  }
0x4a: {  	[timem:s3], [sflag:s2] =	dma.local @!p0 [hbm:s0], s1  }
0x4b: {  	s0 =	simm.s32 @!p0 $0x2  }
0x4c: {  	_ =	swait.ge @!p0 [sflag:s0], s1  }
0x4d: {  	s1 =	ssub.s32 @!p0 $0x0, s1;
	[sflag:s0] =	ssyncset.done @!p0 $0x0  }
0x4e: {  	[sflag:s0] =	ssyncadd.s32 @!p0 s1  }
0x4f: {  	[bflag:$0x3] =	sbarrier.arrive $0xFFFF  }
0x50: {  	_ =	shalt  }

// kernel: kernel.18.cloned.1.call-start
scs
__scs_entry_jumppad:
0x0: {  	(pc) =	sbr.rel $0x88, $3  }
0x1: {  	(tag) =	ssettag $0x0;
	lr =	simm.s32 $0x1  }
0x2: {  	[smem:$0x3F8D] =	sst lr;
	_ =	strace $0xD0000000  }
0x3: {  	_ = 	snop  }
0x4: {  	_ = 	snop  }
0x5: {  	_ = 	snop  }
0x6: {  	_ = 	snop  }
0x7: {  	_ = 	snop  }
__scs_overlays_trampoline_lowered:
0x8: {  	[smem:$0x3F9C] =	sst s0  }
0x9: {  	[smem:$0x3F9D] =	sst s1  }
0xa: {  	[smem:$0x3F9E] =	sst s2  }
0xb: {  	[smem:$0x3F9F] =	sst s3  }
0xc: {  	[smem:$0x3FA0] =	sst s4  }
0xd: {  	[smem:$0x3FA1] =	sst s5  }
0xe: {  	[smem:$0x3FA2] =	sst s6  }
0xf: {  	[smem:$0x3FA3] =	sst s7  }
0x10: {  	[smem:$0x3FA4] =	sst s8  }
0x11: {  	[smem:$0x3FA5] =	sst s9;
	s0 =	simm.s32 @!p0 $0x0  }
0x12: {  	s1 =	sld [smem:$0x3F8B];
	s0 =	simm.s32 @p0 $0x1  }
0x13: {  	[smem:$0x3FA6] =	sst s0;
	s0 =	simm.s32 @!p1 $0x0  }
0x14: {  	s2 =	sld [smem:$0x3F8A];
	s0 =	simm.s32 @p1 $0x1  }
0x15: {  	[smem:$0x3FA7] =	sst s0;
	s0 =	simm.s32 @!p2 $0x0  }
0x16: {  	s3 =	sld [smem:$0x3FDB];
	s0 =	simm.s32 @p2 $0x1  }
0x17: {  	s4 =	simm.s32 $0x1BF5;
	[smem:$0x3FA9] =	sst s0  }
0x18: {  	s0 =	sld [smem:$0x3F8C];
	_ =	swait.ge [sflag:s4], $0x0  }
0x19: {  	s7 =	sld [smem:$0x3F8D]  }
0x1a: {  	s8 =	sadd.s32 $0xFFFFE003, lr  }
0x1b: {  	s9 =	sadd.s32 $0xFFFFFEF7, lr;
	s5 =	simm.s32 $0xFFFFFFFF;
	p2 =	slt.u32 s8, $0xFFFFF086  }
0x1c: {  	p1 =	slt.u32 s9, $0xF7A;
	s5 =	simm.s32 @!p2 $0x0  }
0x1d: {  	s5 =	simm.s32 @p1 $0x1;
	p0 =	seq.s32 s7, s2  }
0x1e: {  	s7 =	smul.u32 @!p0 $0xF7A, s2;
	p2 =	seq.s32 @!p0 s5, $0x0  }
0x1f: {  	s9 =	smul.u32 $0xF7A, s1;
	s8 =	simm.s32 @!p0 $0x1BF5;
	p2 =	por !p2, p0  }
0x20: {  	[sflag:s8] =	ssyncset.s32 @!p0 $0xFFFFF086;
	s6 =	sadd.s32 @!p0 s3, s7;
	s7 =	simm.s32 @!p0 $0x108  }
0x21: {  	s3 =	sadd.s32 s3, s9;
	s6 =	sadd.s32 @!p0 $0x88, s6;
	s7 =	simm.s32 @p2 $0x1082  }
0x22: {  	[simem:s7], [sflag:s8] =	dma.local @!p0 [hbm:s6], $0xF7A  }
0x23: {  	s9 =	sor.u32 $0xD0000000, s2;
	s6 =	simm.s32 $0x108;
	_ =	swait.ge @!p0 [sflag:s8], $0x0  }
0x24: {  	s3 =	sadd.s32 $0x88, s3;
	s6 =	simm.s32 @!p1 $0x1082;
	[sflag:s4] =	ssyncset.s32 $0xFFFFF086  }
0x25: {  	[simem:s6], [sflag:s4] =	dma.local [hbm:s3], $0xF7A  }
0x26: {  	[smem:$0x3F8D] =	sst s1;
	(tag) =	ssettag s2;
	_ =	strace s9  }
0x27: {  	s1 =	sld [smem:$0x3F9D]  }
0x28: {  	s2 =	sld [smem:$0x3F9E]  }
0x29: {  	s4 =	sld [smem:$0x3FA0]  }
0x2a: {  	p0 =	seq.s32 s5, $0x0;
	s5 =	sld [smem:$0x3FA1]  }
0x2b: {  	s6 =	sld [smem:$0x3FA2]  }
0x2c: {  	s7 =	sld [smem:$0x3FA3]  }
0x2d: {  	s3 =	simm.s32 $0x108;
	s8 =	sld [smem:$0x3FA4]  }
0x2e: {  	s3 =	simm.s32 @!p0 $0x1082;
	s9 =	sld [smem:$0x3FA5]  }
0x2f: {  	lr =	sadd.s32 s0, s3;
	s0 =	sld [smem:$0x3F9C]  }
0x30: {  	s3 =	sld [smem:$0x3F9F]  }
0x31: {  	[smem:$0x3FA8] =	sst s10  }
0x32: {  	s10 =	sld [smem:$0x3FA6];
	_ =	sdelay $0x3  }
0x33: {  	p0 =	seq.s32 s10, $0x1;
	s10 =	sld [smem:$0x3FA8];
	_ =	sdelay $0x3  }
0x34: {  	[smem:$0x3FA8] =	sst s10  }
0x35: {  	s10 =	sld [smem:$0x3FA7];
	_ =	sdelay $0x3  }
0x36: {  	p1 =	seq.s32 s10, $0x1;
	s10 =	sld [smem:$0x3FA8];
	_ =	sdelay $0x3  }
0x37: {  	[smem:$0x3FA8] =	sst s10  }
0x38: {  	s10 =	sld [smem:$0x3FA9]  }
0x39: {  	_ = 	snop;
	(pc) =	sbr.ind lr, $3  }
0x3a: {  	_ = 	snop  }
0x3b: {  	_ = 	snop  }
0x3c: {  	p2 =	seq.s32 s10, $0x1;
	s10 =	sld [smem:$0x3FA8]  }
0x3d: {  	_ =	shalt  }
0x3e: {  	_ =	shalt  }
0x3f: {  	_ =	shalt  }
0x40: {  	_ =	shalt  }
0x41: {  	_ =	shalt  }
0x42: {  	_ =	shalt  }
0x43: {  	_ =	shalt  }
0x44: {  	_ =	shalt  }
0x45: {  	_ =	shalt  }
0x46: {  	_ =	shalt  }
0x47: {  	_ =	shalt  }
0x48: {  	_ =	shalt  }
0x49: {  	_ =	shalt  }
0x4a: {  	_ =	shalt  }
0x4b: {  	_ =	shalt  }
0x4c: {  	_ =	shalt  }
0x4d: {  	_ =	shalt  }
0x4e: {  	_ =	shalt  }
0x4f: {  	_ =	shalt  }
0x50: {  	_ =	shalt  }
0x51: {  	_ =	shalt  }
0x52: {  	_ =	shalt  }
0x53: {  	_ =	shalt  }
0x54: {  	_ =	shalt  }
0x55: {  	_ =	shalt  }
0x56: {  	_ =	shalt  }
0x57: {  	_ =	shalt  }
0x58: {  	_ =	shalt  }
0x59: {  	_ =	shalt  }
0x5a: {  	_ =	shalt  }
0x5b: {  	_ =	shalt  }
0x5c: {  	_ =	shalt  }
0x5d: {  	_ =	shalt  }
0x5e: {  	_ =	shalt  }
0x5f: {  	_ =	shalt  }
0x60: {  	_ =	shalt  }
0x61: {  	_ =	shalt  }
0x62: {  	_ =	shalt  }
0x63: {  	_ =	shalt  }
0x64: {  	_ =	shalt  }
0x65: {  	_ =	shalt  }
0x66: {  	_ =	shalt  }
0x67: {  	_ =	shalt  }
0x68: {  	_ =	shalt  }
0x69: {  	_ =	shalt  }
0x6a: {  	_ =	shalt  }
0x6b: {  	_ =	shalt  }
0x6c: {  	_ =	shalt  }
0x6d: {  	_ =	shalt  }
0x6e: {  	_ =	shalt  }
0x6f: {  	_ =	shalt  }
0x70: {  	_ =	shalt  }
0x71: {  	_ =	shalt  }
0x72: {  	_ =	shalt  }
0x73: {  	_ =	shalt  }
0x74: {  	_ =	shalt  }
0x75: {  	_ =	shalt  }
0x76: {  	_ =	shalt  }
0x77: {  	_ =	shalt  }
0x78: {  	_ =	shalt  }
0x79: {  	_ =	shalt  }
0x7a: {  	_ =	shalt  }
0x7b: {  	_ =	shalt  }
0x7c: {  	_ =	shalt  }
0x7d: {  	_ =	shalt  }
0x7e: {  	_ =	shalt  }
0x7f: {  	_ =	shalt  }
0x80: {  	_ =	shalt  }
0x81: {  	_ =	shalt  }
0x82: {  	_ =	shalt  }
0x83: {  	_ =	shalt  }
0x84: {  	_ =	shalt  }
0x85: {  	_ =	shalt  }
0x86: {  	_ =	shalt  }
0x87: {  	_ =	shalt  }
.Lfunc_end0:
.L_simem_size_0:
called_computation.3_lowered:
.L_overlay_start_0:
0x88: {  	s2 =	sld [smem:$0x3FD9]  }
0x89: {  	s3 =	sld [smem:$0x3FFE];
	_ =	sdelay $0x1  }
0x8a: {  	s1 =	srdreg.scid  }
0x8b: {  	s0 =	sand.u32 $0x1, s1  }
0x8c: {  	s17 =	sshll.u32 s0, $0xA;
	s2 =	sadd.s32 s3, s2  }
0x8d: {  	s2 =	sadd.s32 s2, s17  }
0x8e: {  	[smem:$0x3FB4] =	sst s2  }
0x8f: {  	_ = 	snop  }
0x90: {  	s2 =	sld [smem:$0x3FC8];
	(tm) =	ssettm $0x1  }
0x91: {  	s18 =	sld [smem:$0x3FFB];
	_ =	sdelay $0x3  }
0x92: {  	_ =	strace s18  }
0x93: {  	s3 =	sld [smem:$0x3FFC];
	_ =	sdelay $0x3  }
0x94: {  	_ =	strace s3  }
0x95: {  	s3 =	sld [smem:$0x3FFD];
	_ =	sdelay $0x3  }
0x96: {  	_ =	strace s3  }
0x97: {  	_ =	strace $0x8FFFFFFF  }
0x98: {  	s19 =	sld [smem:$0x3FDB];
	_ =	sdelay $0x1  }
0x99: {  	s4 =	simm.s32 $_scs_section_size  }
0x9a: {  	s5 =	simm.s32 $_size__tile_overlayer_lowered;
	s6 =	simm.s32 $_tile_overlayer_lowered  }
0x9b: {  	s22 =	simm.s32 $0x1BFF;
	s21 =	sshll.u32 s6, $0x1;
	s3 =	sadd.s32 s4, s19  }
0x9c: {  	s7 =	simm.s32 $0x0;
	s20 =	sshll.u32 s5, $0x1;
	s5 =	sadd.s32 s21, s3  }
0x9d: {  	[timem:s7], [sflag:s22] =	dma.local [hbm:s5], s20  }
0x9e: {  	_ =	swait.ge [sflag:s22], s20  }
0x9f: {  	s4 =	ssub.s32 $0x0, s20;
	[sflag:s22] =	ssyncset.done $0x0  }
0xa0: {  	[sflag:s22] =	ssyncadd.s32 s4;
	_ =	sdelay $0x1  }
0xa1: {  	s23 =	simm.s32 $0x1B8B  }
0xa2: {  	_ =	swait.ge [sflag:s23], $0x1  }
0xa3: {  	[sflag:s23] =	ssyncset.done $0x0  }
0xa4: {  	s25 =	simm.s32 $0x1B8E;
	s24 =	sld [smem:$0x3FFE];
	[sflag:s23] =	ssyncadd.s32 $0xFFFFFFFF  }
0xa5: {  	s26 =	simm.s32 $execute0_lowered;
	[smem:$0x3FD2] =	sst s25  }
0xa6: {  	s5 =	sshll.u32 s26, $0x1;
	_ =	strace $0x8000004F;
	[dreg:$0x1] =	wrdreg $0xFFFFFFFF  }
0xa7: {  	s28 =	simm.s32 $_size_execute0_lowered;
	s3 =	sadd.s32 s3, s5;
	[dreg:$0x0] =	wrdreg $0x0  }
0xa8: {  	s5 =	sshll.u32 s28, $0x1;
	[dreg:$0x2] =	wrdreg s3  }
0xa9: {  	[dreg:$0x3] =	wrdreg s5  }
0xaa: {  	[dreg:$0x4] =	wrdreg $0xC0  }
0xab: {  	_ =	task [dreg:s7], $0x5FFFF  }
0xac: {  	[dreg:$0x1] =	wrdreg $0xFFFFFFFF  }
0xad: {  	[dreg:$0x0] =	wrdreg $0x60  }
0xae: {  	[dreg:$0x2] =	wrdreg s24  }
0xaf: {  	[dreg:$0x3] =	wrdreg s2  }
0xb0: {  	[dreg:$0x4] =	wrdreg $0x40800  }
0xb1: {  	[dreg:$0x5] =	wrdreg $0x9  }
0xb2: {  	_ =	task.clear_ibuf [dreg:s7], $0x6FFFF;
	_ =	strace $0x9000004F  }
0xb3: {  	s29 =	simm.s32 $0x9;
	_ =	strace $0x80000051  }
0xb4: {  	_ =	swait.ge [sflag:s29], $0x1  }
0xb5: {  	[sflag:s29] =	ssyncadd.s32 $0xFFFFFFFF  }
0xb6: {  	_ =	strace $0x90000051  }
0xb7: {  	_ =	sfence  }
0xb8: {  	s30 =	sld [smem:$0x0];
	_ =	sdelay $0x2  }
0xb9: {  	s31 =	sshll.u32 s1, $0xD;
	s1 =	sshrl.u32 s1, $0x2  }
0xba: {  	s3 =	sand.u32 $0x4000, s31;
	s1 =	sadd.s32 s1, s30  }
0xbb: {  	s0 =	sor.u32 s3, s0;
	s1 =	sshll.u32 s1, $0x11  }
0xbc: {  	s0 =	sor.u32 s1, s0  }
0xbd: {  	s0 =	sadd.s32 $0x8F2B, s0  }
0xbe: {  	[sflag:s0] =	ssyncadd.remote.s32 $0x1  }
0xbf: {  	_ =	sfence.sel $0xFFFF  }
0xc0: {  	[dreg:$0x0] =	wrdreg $0xFFFFFFFF;
	(pc) =	sbr.abs _section_cstart, $3  }
0xc1: {  	[dreg:$0x1] =	wrdreg $0xFFFFFFFF  }
0xc2: {  	_ =	task.clear_ibuf [dreg:s7], $0x2FFFF;
	_ =	strace $0x9FFFFFFF  }
0xc3: {  	(tm) =	ssettm $0x7FFFFFFF  }
tec
execute0_lowered:
.L_overlay_start_1:
0x0: {  	(tag) =	ssettag $0x1  }
0x1: {  	s4 =	rddreg [dreg:$0x0]  }
0x2: {  	s11 =	rddreg [dreg:$0x1]  }
0x3: {  	s2 =	rddreg [dreg:$0x2];
	s1 =	stileid.u32  }
0x4: {  	s0 =	rddreg [dreg:$0x3];
	s6 =	smul.u32 $0x2800, s1  }
0x5: {  	s5 =	srdreg.scid;
	s3 =	simm.s32 $0x0;
	s12 =	smul.u32 $0x50000, s1  }
0x6: {  	s18 =	simm.s32 $0x0;
	s9 =	sand.u32 $0x1, s5;
	s15 =	smul.u32 $0x4E20, s1  }
0x7: {  	[smem:$0x7FF] =	sst s3;
	s10 =	sadd.s32 $0x1933E00, s4;
	s17 =	smul.u32 $0x4E200, s1  }
0x8: {  	s8 =	sshll.u32 s1, $0x1;
	s26 =	sshll.u32 s1, $0x6;
	s5 =	smul.u32 $0x28000, s9  }
0x9: {  	_ =	strace $0x80000050;
	s21 =	ssub.s32 $0x2, s9;
	s16 =	smul.u32 $0x2710, s9  }
0xa: {  	s23 =	sor.u32 s9, s8;
	s30 =	smul.u32 $0x27100, s9;
	s7 =	sadd.s32 s6, s4  }
0xb: {  	s22 =	sshrl.u32 s21, $0x1;
	s24 =	smul.u32 $0x2710, s23;
	s25 =	sshrl.u32 s12, $0x2  }
0xc: {  	s5 =	sadd.s32 s6, s5;
	s14 =	ssub.s32 s21, s22;
	s12 =	sadd.s32 s25, s2  }
0xd: {  	s15 =	sadd.s32 s16, s15;
	s16 =	simm.s32 $0x18100;
	s13 =	sadd.s32 s5, s4  }
0xe: {  	s4 =	sadd.s32 $0x53C00, s7;
	s5 =	sor.u32 $0x1C01, s26;
	s6 =	sadd.s32 $0x2700, s24  }
0xf: {  	s9 =	smax.u32 s14, $0x1;
	s31 =	sshrl.u32 s15, $0x3;
	s12 =	sshrl.u32 s12, $0x3  }
0x10: {  	s14 =	simm.s32 $0x80;
	s15 =	simm.s32 $0x18080;
	s28 =	sshrl.u32 s6, $0x3  }
0x11: {  	s29 =	sshll.u32 s6, $0x4;
	s8 =	sadd.s32 $0x7BC00, s13;
	s13 =	simm.s32 $0x1  }
0x12: {  	s6 =	sadd.s32 s11, s28;
	s7 =	sadd.s32 s10, s29;
	s10 =	sadd.s32 s17, s10  }
0x13: {  	s11 =	sadd.s32 s31, s11;
	s17 =	simm.s32 $0x10;
	s10 =	sadd.s32 s30, s10  }
.LBB2_1:
0x14: {  	[spmem:s12], [sflag:s5] =	dma.local [hbm:s4], $0x2800  }
0x15: {  	_ =	swait.ge [sflag:s13], $0x2800  }
0x16: {  	[sflag:s13] =	ssyncset.done $0x0  }
0x17: {  	[sflag:s13] =	ssyncadd.s32 $0xFFFFD800  }
0x18: {  	s19 =	sadd.s32 $0x0, s11;
	[bflag:$0x0] =	sbarrier.arrive $0xFFFF  }
0x19: {  	[tilespmem:s3], [sflag:$0x1] =	stream.linear.gather [hbm4b:s19+s3], $0x80, $0x38;
	[tilespmem:$0x18900] =	vst v63  }
0x1a: {  	_ =	swait.ge [sflag:s13], $0x80  }
0x1b: {  	[sflag:s13] =	ssyncset.done $0x0  }
0x1c: {  	[sflag:s13] =	ssyncadd.s32 $0xFFFFFF80  }
0x1d: {  	[tilespmem:s14], [sflag:$0x1] =	stream.linear.gather [hbm4b:s10+s3], $0x4000, $0x38;
	[tilespmem:$0x18900] =	vst v63  }
0x1e: {  	_ =	swait.ge [sflag:s13], $0x4000  }
0x1f: {  	[sflag:s13] =	ssyncset.done $0x0  }
0x20: {  	[sflag:s13] =	ssyncadd.s32 $0xFFFFC000  }
0x21: {  	[spmem:s2] =	stream.indirect.scatter.add.f32 [tilespmem:s14], [sflag:$0x1], $0x80, s3, s14, $0xb8;
	[tilespmem:$0x18900] =	vst v63  }
0x22: {  	s20 =	simm.s32 $0x10;
	_ =	swait.ge [sflag:s13], $0x4000  }
0x23: {  	s21 =	simm.s32 $0x20;
	s19 =	sadd.s32 $0x800, s10;
	[sflag:s13] =	ssyncset.done $0x0  }
.LBB2_2:
0x24: {  	s22 =	sadd.s32 s20, s11  }
0x25: {  	[sflag:s13] =	ssyncadd.s32 $0xFFFFC000;
	s20 =	smov.u32 s21;
	s23 =	sadd.s32 $0x10, s21  }
0x26: {  	[tilespmem:s3], [sflag:$0x1] =	stream.linear.gather [hbm4b:s22+s3], $0x80, $0x38;
	[tilespmem:$0x18900] =	vst v63  }
0x27: {  	p0 =	sne.s32 s21, $0x4D0;
	_ =	swait.ge [sflag:s13], $0x80  }
0x28: {  	[sflag:s13] =	ssyncset.done $0x0  }
0x29: {  	[sflag:s13] =	ssyncadd.s32 $0xFFFFFF80  }
0x2a: {  	[tilespmem:s14], [sflag:$0x1] =	stream.linear.gather [hbm4b:s19+s3], $0x4000, $0x38;
	[tilespmem:$0x18900] =	vst v63  }
0x2b: {  	_ =	swait.ge [sflag:s13], $0x4000  }
.Ltmp0:
0x2c: {  	[sflag:s13] =	ssyncset.done $0x0;
	(pc) =	sbr.rel @p0 .LBB2_2-.Ltmp0, $4  }
0x2d: {  	[sflag:s13] =	ssyncadd.s32 $0xFFFFC000  }
0x2e: {  	[spmem:s2] =	stream.indirect.scatter.add.f32 [tilespmem:s14], [sflag:$0x1], $0x80, s3, s14, $0xb8;
	[tilespmem:$0x18900] =	vst v63  }
0x2f: {  	_ =	swait.ge [sflag:s13], $0x4000  }
0x30: {  	s21 =	smov.u32 s23;
	s19 =	sadd.s32 $0x800, s19;
	[sflag:s13] =	ssyncset.done $0x0  }
0x31: {  	s20 =	sadd.s32 s20, s11;
	[sflag:s13] =	ssyncadd.s32 $0xFFFFC000  }
0x32: {  	[tilespmem:s3], [sflag:$0x1] =	stream.linear.gather [hbm4b:s20+s3], $0x80, $0x38;
	[tilespmem:$0x18900] =	vst v63  }
0x33: {  	_ =	swait.ge [sflag:s13], $0x80  }
0x34: {  	[sflag:s13] =	ssyncset.done $0x0  }
0x35: {  	[sflag:s13] =	ssyncadd.s32 $0xFFFFFF80  }
0x36: {  	[tilespmem:s14], [sflag:$0x1] =	stream.linear.gather [hbm4b:s19+s3], $0x4000, $0x38;
	[tilespmem:$0x18900] =	vst v63  }
0x37: {  	_ =	swait.ge [sflag:s13], $0x4000  }
0x38: {  	[sflag:s13] =	ssyncset.done $0x0  }
0x39: {  	[sflag:s13] =	ssyncadd.s32 $0xFFFFC000  }
0x3a: {  	[spmem:s2] =	stream.indirect.scatter.add.f32 [tilespmem:s14], [sflag:$0x1], $0x80, s3, s14, $0xb8;
	[tilespmem:$0x18900] =	vst v63  }
0x3b: {  	_ =	swait.ge [sflag:s13], $0x4000  }
0x3c: {  	[sflag:s13] =	ssyncset.done $0x0  }
0x3d: {  	[sflag:s13] =	ssyncadd.s32 $0xFFFFC000  }
0x3e: {  	[tilespmem:s15], [sflag:$0x1] =	stream.linear.gather [hbm4b:s6+s3], $0x10, $0x38;
	[tilespmem:$0x18900] =	vst v63  }
0x3f: {  	_ =	swait.ge [sflag:s13], $0x10  }
0x40: {  	[sflag:s13] =	ssyncset.done $0x0  }
0x41: {  	[sflag:s13] =	ssyncadd.s32 $0xFFFFFFF0  }
0x42: {  	[tilespmem:s16], [sflag:$0x1] =	stream.linear.gather [hbm4b:s7+s3], $0x800, $0x38;
	[tilespmem:$0x18900] =	vst v63  }
0x43: {  	_ =	swait.ge [sflag:s13], $0x800  }
0x44: {  	[sflag:s13] =	ssyncset.done $0x0  }
0x45: {  	[sflag:s13] =	ssyncadd.s32 $0xFFFFF800  }
0x46: {  	[spmem:s2] =	stream.indirect.scatter.add.f32 [tilespmem:s16], [sflag:$0x1], $0x80, s15, s17, $0xb8;
	[tilespmem:$0x18900] =	vst v63  }
0x47: {  	_ =	swait.ge [sflag:s13], $0x800  }
0x48: {  	s18 =	sadd.s32 $0x1, s18;
	[sflag:s13] =	ssyncset.done $0x0  }
0x49: {  	p0 =	sne.s32 s18, s9;
	[sflag:s13] =	ssyncadd.s32 $0xFFFFF800  }
.Ltmp1:
0x4a: {  	[bflag:$0x0] =	sbarrier.arrive $0xFFFF;
	(pc) =	sbr.rel @p0 .LBB2_1-.Ltmp1, $4  }
0x4b: {  	[hbm:s8], [sflag:s5] =	dma.local [spmem:s12], $0x2800  }
0x4c: {  	_ =	swait.ge [sflag:s13], $0x2800  }
0x4d: {  	[sflag:s13] =	ssyncset.done $0x0  }
0x4e: {  	[sflag:s13] =	ssyncadd.s32 $0xFFFFD800  }
0x4f: {  	_ =	sfence.sel $0x180000  }
0x50: {  	[bflag:$0x0] =	sbarrier.arrive $0xFFFF  }
0x51: {  	p0 =	sne.s32 s1, $0x0;
	_ =	strace $0x90000050  }
0x52: {  	s0 =	sadd.s32 @!p0 $0x100000, s0;
	[bflag:$0x2] =	sbarrier.arrive $0xFFFF  }
0x53: {  	[sflag:s0] =	ssyncadd.tile.s32 @!p0 $0x1;
	_ =	shalt  }
.Lfunc_end2:
_tile_overlayer_lowered:
.L_overlay_start_2:
0x54: {  	(tag) =	ssettag $0x2  }
0x55: {  	s0 =	rddreg [dreg:$0x0];
	s2 =	stileid.u32  }
0x56: {  	s1 =	rddreg [dreg:$0x1];
	p0 =	sne.s32 s2, $0x0  }
0x57: {  	s3 =	rddreg [dreg:$0x2];
	[bflag:$0x3] =	sbarrier.arrive $0xFFFF;
	s2 =	simm.s32 @!p0 $0x1C01  }
0x58: {  	[timem:s3], [sflag:s2] =	dma.local @!p0 [hbm:s0], s1  }
0x59: {  	s0 =	simm.s32 @!p0 $0x1  }
0x5a: {  	_ =	swait.ge @!p0 [sflag:s0], s1  }
0x5b: {  	s1 =	ssub.s32 @!p0 $0x0, s1;
	[sflag:s0] =	ssyncset.done @!p0 $0x0  }
0x5c: {  	[sflag:s0] =	ssyncadd.s32 @!p0 s1  }
0x5d: {  	[bflag:$0x3] =	sbarrier.arrive $0xFFFF  }
0x5e: {  	_ =	shalt  }

// kernel: kernel.9.cloned.1.call-start
scs
__scs_entry_jumppad:
0x0: {  	(pc) =	sbr.rel $0x88, $3  }
0x1: {  	(tag) =	ssettag $0x0;
	lr =	simm.s32 $0x1  }
0x2: {  	[smem:$0x3F8D] =	sst lr;
	_ =	strace $0xD0000000  }
0x3: {  	_ = 	snop  }
0x4: {  	_ = 	snop  }
0x5: {  	_ = 	snop  }
0x6: {  	_ = 	snop  }
0x7: {  	_ = 	snop  }
__scs_overlays_trampoline_lowered:
0x8: {  	[smem:$0x3F9C] =	sst s0  }
0x9: {  	[smem:$0x3F9D] =	sst s1  }
0xa: {  	[smem:$0x3F9E] =	sst s2  }
0xb: {  	[smem:$0x3F9F] =	sst s3  }
0xc: {  	[smem:$0x3FA0] =	sst s4  }
0xd: {  	[smem:$0x3FA1] =	sst s5  }
0xe: {  	[smem:$0x3FA2] =	sst s6  }
0xf: {  	[smem:$0x3FA3] =	sst s7  }
0x10: {  	[smem:$0x3FA4] =	sst s8  }
0x11: {  	[smem:$0x3FA5] =	sst s9;
	s0 =	simm.s32 @!p0 $0x0  }
0x12: {  	s1 =	sld [smem:$0x3F8B];
	s0 =	simm.s32 @p0 $0x1  }
0x13: {  	[smem:$0x3FA6] =	sst s0;
	s0 =	simm.s32 @!p1 $0x0  }
0x14: {  	s2 =	sld [smem:$0x3F8A];
	s0 =	simm.s32 @p1 $0x1  }
0x15: {  	[smem:$0x3FA7] =	sst s0;
	s0 =	simm.s32 @!p2 $0x0  }
0x16: {  	s3 =	sld [smem:$0x3FDB];
	s0 =	simm.s32 @p2 $0x1  }
0x17: {  	s4 =	simm.s32 $0x1BF5;
	[smem:$0x3FA9] =	sst s0  }
0x18: {  	s0 =	sld [smem:$0x3F8C];
	_ =	swait.ge [sflag:s4], $0x0  }
0x19: {  	s7 =	sld [smem:$0x3F8D]  }
0x1a: {  	s8 =	sadd.s32 $0xFFFFE003, lr  }
0x1b: {  	s9 =	sadd.s32 $0xFFFFFEF7, lr;
	s5 =	simm.s32 $0xFFFFFFFF;
	p2 =	slt.u32 s8, $0xFFFFF086  }
0x1c: {  	p1 =	slt.u32 s9, $0xF7A;
	s5 =	simm.s32 @!p2 $0x0  }
0x1d: {  	s5 =	simm.s32 @p1 $0x1;
	p0 =	seq.s32 s7, s2  }
0x1e: {  	s7 =	smul.u32 @!p0 $0xF7A, s2;
	p2 =	seq.s32 @!p0 s5, $0x0  }
0x1f: {  	s9 =	smul.u32 $0xF7A, s1;
	s8 =	simm.s32 @!p0 $0x1BF5;
	p2 =	por !p2, p0  }
0x20: {  	[sflag:s8] =	ssyncset.s32 @!p0 $0xFFFFF086;
	s6 =	sadd.s32 @!p0 s3, s7;
	s7 =	simm.s32 @!p0 $0x108  }
0x21: {  	s3 =	sadd.s32 s3, s9;
	s6 =	sadd.s32 @!p0 $0x88, s6;
	s7 =	simm.s32 @p2 $0x1082  }
0x22: {  	[simem:s7], [sflag:s8] =	dma.local @!p0 [hbm:s6], $0xF7A  }
0x23: {  	s9 =	sor.u32 $0xD0000000, s2;
	s6 =	simm.s32 $0x108;
	_ =	swait.ge @!p0 [sflag:s8], $0x0  }
0x24: {  	s3 =	sadd.s32 $0x88, s3;
	s6 =	simm.s32 @!p1 $0x1082;
	[sflag:s4] =	ssyncset.s32 $0xFFFFF086  }
0x25: {  	[simem:s6], [sflag:s4] =	dma.local [hbm:s3], $0xF7A  }
0x26: {  	[smem:$0x3F8D] =	sst s1;
	(tag) =	ssettag s2;
	_ =	strace s9  }
0x27: {  	s1 =	sld [smem:$0x3F9D]  }
0x28: {  	s2 =	sld [smem:$0x3F9E]  }
0x29: {  	s4 =	sld [smem:$0x3FA0]  }
0x2a: {  	p0 =	seq.s32 s5, $0x0;
	s5 =	sld [smem:$0x3FA1]  }
0x2b: {  	s6 =	sld [smem:$0x3FA2]  }
0x2c: {  	s7 =	sld [smem:$0x3FA3]  }
0x2d: {  	s3 =	simm.s32 $0x108;
	s8 =	sld [smem:$0x3FA4]  }
0x2e: {  	s3 =	simm.s32 @!p0 $0x1082;
	s9 =	sld [smem:$0x3FA5]  }
0x2f: {  	lr =	sadd.s32 s0, s3;
	s0 =	sld [smem:$0x3F9C]  }
0x30: {  	s3 =	sld [smem:$0x3F9F]  }
0x31: {  	[smem:$0x3FA8] =	sst s10  }
0x32: {  	s10 =	sld [smem:$0x3FA6];
	_ =	sdelay $0x3  }
0x33: {  	p0 =	seq.s32 s10, $0x1;
	s10 =	sld [smem:$0x3FA8];
	_ =	sdelay $0x3  }
0x34: {  	[smem:$0x3FA8] =	sst s10  }
0x35: {  	s10 =	sld [smem:$0x3FA7];
	_ =	sdelay $0x3  }
0x36: {  	p1 =	seq.s32 s10, $0x1;
	s10 =	sld [smem:$0x3FA8];
	_ =	sdelay $0x3  }
0x37: {  	[smem:$0x3FA8] =	sst s10  }
0x38: {  	s10 =	sld [smem:$0x3FA9]  }
0x39: {  	_ = 	snop;
	(pc) =	sbr.ind lr, $3  }
0x3a: {  	_ = 	snop  }
0x3b: {  	_ = 	snop  }
0x3c: {  	p2 =	seq.s32 s10, $0x1;
	s10 =	sld [smem:$0x3FA8]  }
0x3d: {  	_ =	shalt  }
0x3e: {  	_ =	shalt  }
0x3f: {  	_ =	shalt  }
0x40: {  	_ =	shalt  }
0x41: {  	_ =	shalt  }
0x42: {  	_ =	shalt  }
0x43: {  	_ =	shalt  }
0x44: {  	_ =	shalt  }
0x45: {  	_ =	shalt  }
0x46: {  	_ =	shalt  }
0x47: {  	_ =	shalt  }
0x48: {  	_ =	shalt  }
0x49: {  	_ =	shalt  }
0x4a: {  	_ =	shalt  }
0x4b: {  	_ =	shalt  }
0x4c: {  	_ =	shalt  }
0x4d: {  	_ =	shalt  }
0x4e: {  	_ =	shalt  }
0x4f: {  	_ =	shalt  }
0x50: {  	_ =	shalt  }
0x51: {  	_ =	shalt  }
0x52: {  	_ =	shalt  }
0x53: {  	_ =	shalt  }
0x54: {  	_ =	shalt  }
0x55: {  	_ =	shalt  }
0x56: {  	_ =	shalt  }
0x57: {  	_ =	shalt  }
0x58: {  	_ =	shalt  }
0x59: {  	_ =	shalt  }
0x5a: {  	_ =	shalt  }
0x5b: {  	_ =	shalt  }
0x5c: {  	_ =	shalt  }
0x5d: {  	_ =	shalt  }
0x5e: {  	_ =	shalt  }
0x5f: {  	_ =	shalt  }
0x60: {  	_ =	shalt  }
0x61: {  	_ =	shalt  }
0x62: {  	_ =	shalt  }
0x63: {  	_ =	shalt  }
0x64: {  	_ =	shalt  }
0x65: {  	_ =	shalt  }
0x66: {  	_ =	shalt  }
0x67: {  	_ =	shalt  }
0x68: {  	_ =	shalt  }
0x69: {  	_ =	shalt  }
0x6a: {  	_ =	shalt  }
0x6b: {  	_ =	shalt  }
0x6c: {  	_ =	shalt  }
0x6d: {  	_ =	shalt  }
0x6e: {  	_ =	shalt  }
0x6f: {  	_ =	shalt  }
0x70: {  	_ =	shalt  }
0x71: {  	_ =	shalt  }
0x72: {  	_ =	shalt  }
0x73: {  	_ =	shalt  }
0x74: {  	_ =	shalt  }
0x75: {  	_ =	shalt  }
0x76: {  	_ =	shalt  }
0x77: {  	_ =	shalt  }
0x78: {  	_ =	shalt  }
0x79: {  	_ =	shalt  }
0x7a: {  	_ =	shalt  }
0x7b: {  	_ =	shalt  }
0x7c: {  	_ =	shalt  }
0x7d: {  	_ =	shalt  }
0x7e: {  	_ =	shalt  }
0x7f: {  	_ =	shalt  }
0x80: {  	_ =	shalt  }
0x81: {  	_ =	shalt  }
0x82: {  	_ =	shalt  }
0x83: {  	_ =	shalt  }
0x84: {  	_ =	shalt  }
0x85: {  	_ =	shalt  }
0x86: {  	_ =	shalt  }
0x87: {  	_ =	shalt  }
.Lfunc_end0:
.L_simem_size_0:
called_computation_lowered:
.L_overlay_start_0:
0x88: {  	s2 =	sld [smem:$0x3FD9]  }
0x89: {  	s3 =	sld [smem:$0x3FFE];
	_ =	sdelay $0x1  }
0x8a: {  	s1 =	srdreg.scid  }
0x8b: {  	s0 =	sand.u32 $0x1, s1  }
0x8c: {  	s16 =	sshll.u32 s0, $0xA;
	s2 =	sadd.s32 s3, s2  }
0x8d: {  	s2 =	sadd.s32 s2, s16  }
0x8e: {  	[smem:$0x3FB4] =	sst s2  }
0x8f: {  	_ = 	snop  }
0x90: {  	(tm) =	ssettm $0x1  }
0x91: {  	s17 =	sld [smem:$0x3FFB];
	_ =	sdelay $0x3  }
0x92: {  	_ =	strace s17  }
0x93: {  	s2 =	sld [smem:$0x3FFC];
	_ =	sdelay $0x3  }
0x94: {  	_ =	strace s2  }
0x95: {  	s2 =	sld [smem:$0x3FFD];
	_ =	sdelay $0x3  }
0x96: {  	_ =	strace s2  }
0x97: {  	_ =	strace $0x8FFFFFFF  }
0x98: {  	s18 =	sld [smem:$0x3FDB];
	_ =	sdelay $0x1  }
0x99: {  	s19 =	simm.s32 $_scs_section_size  }
0x9a: {  	s4 =	simm.s32 $_size__tile_overlayer_lowered;
	s5 =	simm.s32 $_tile_overlayer_lowered  }
0x9b: {  	s22 =	simm.s32 $0x1BFF;
	s21 =	sshll.u32 s5, $0x1;
	s2 =	sadd.s32 s19, s18  }
0x9c: {  	s6 =	simm.s32 $0x0;
	s20 =	sshll.u32 s4, $0x1;
	s4 =	sadd.s32 s21, s2  }
0x9d: {  	[timem:s6], [sflag:s22] =	dma.local [hbm:s4], s20  }
0x9e: {  	_ =	swait.ge [sflag:s22], s20  }
0x9f: {  	s3 =	ssub.s32 $0x0, s20;
	[sflag:s22] =	ssyncset.done $0x0  }
0xa0: {  	[sflag:s22] =	ssyncadd.s32 s3;
	_ =	sdelay $0x1  }
0xa1: {  	s23 =	simm.s32 $0x1B8B  }
0xa2: {  	_ =	swait.ge [sflag:s23], $0x1  }
0xa3: {  	[sflag:s23] =	ssyncset.done $0x0  }
0xa4: {  	s25 =	simm.s32 $0x1B8E;
	s24 =	sld [smem:$0x3FFE];
	[sflag:s23] =	ssyncadd.s32 $0xFFFFFFFF  }
0xa5: {  	s26 =	simm.s32 $execute0_lowered;
	[smem:$0x3FD2] =	sst s25  }
0xa6: {  	s4 =	sshll.u32 s26, $0x1;
	_ =	strace $0x80000046;
	[dreg:$0x1] =	wrdreg $0xFFFFFFFF  }
0xa7: {  	s28 =	simm.s32 $_size_execute0_lowered;
	s2 =	sadd.s32 s2, s4;
	[dreg:$0x0] =	wrdreg $0x0  }
0xa8: {  	s4 =	sshll.u32 s28, $0x1;
	[dreg:$0x2] =	wrdreg s2  }
0xa9: {  	[dreg:$0x3] =	wrdreg s4  }
0xaa: {  	[dreg:$0x4] =	wrdreg $0xC0  }
0xab: {  	_ =	task [dreg:s6], $0x5FFFF  }
0xac: {  	[dreg:$0x1] =	wrdreg $0xFFFFFFFF  }
0xad: {  	[dreg:$0x0] =	wrdreg $0x60  }
0xae: {  	[dreg:$0x2] =	wrdreg s24  }
0xaf: {  	[dreg:$0x3] =	wrdreg $0xA  }
0xb0: {  	_ =	task.clear_ibuf [dreg:s6], $0x4FFFF;
	_ =	strace $0x90000046  }
0xb1: {  	s29 =	simm.s32 $0xA;
	_ =	strace $0x80000048  }
0xb2: {  	_ =	swait.ge [sflag:s29], $0x1  }
0xb3: {  	[sflag:s29] =	ssyncadd.s32 $0xFFFFFFFF  }
0xb4: {  	_ =	strace $0x90000048  }
0xb5: {  	_ =	sfence  }
0xb6: {  	s30 =	sld [smem:$0x0];
	_ =	sdelay $0x2  }
0xb7: {  	s31 =	sshll.u32 s1, $0xD;
	s1 =	sshrl.u32 s1, $0x2  }
0xb8: {  	s3 =	sand.u32 $0x4000, s31;
	s1 =	sadd.s32 s1, s30  }
0xb9: {  	s0 =	sor.u32 s3, s0;
	s1 =	sshll.u32 s1, $0x11  }
0xba: {  	s0 =	sor.u32 s1, s0  }
0xbb: {  	s0 =	sadd.s32 $0x8F2B, s0  }
0xbc: {  	[sflag:s0] =	ssyncadd.remote.s32 $0x1  }
0xbd: {  	_ =	sfence.sel $0xFFFF  }
0xbe: {  	[dreg:$0x0] =	wrdreg $0xFFFFFFFF;
	(pc) =	sbr.abs _section_cstart, $3  }
0xbf: {  	[dreg:$0x1] =	wrdreg $0xFFFFFFFF  }
0xc0: {  	_ =	task.clear_ibuf [dreg:s6], $0x2FFFF;
	_ =	strace $0x9FFFFFFF  }
0xc1: {  	(tm) =	ssettm $0x7FFFFFFF  }
tec
execute0_lowered:
.L_overlay_start_1:
0x0: {  	(tag) =	ssettag $0x1  }
0x1: {  	s1 =	srdreg.scid;
	s0 =	stileid.u32  }
0x2: {  	s13 =	sand.u32 $0x1, s1;
	s29 =	sshll.u32 s0, $0x1  }
0x3: {  	s8 =	sor.u32 s13, s29  }
0x4: {  	s9 =	rddreg [dreg:$0x0];
	s11 =	smul.u32 $0x140, s8  }
0x5: {  	s2 =	simm.s32 $0x0;
	s1 =	rddreg [dreg:$0x1]  }
0x6: {  	[smem:$0x7FF] =	sst s2;
	s12 =	sadd.s32 $0x5200, s9;
	s3 =	sshrl.u32 s11, $0x3  }
0x7: {  	_ =	strace $0x80000047;
	s4 =	sadd.s32 s12, s3;
	s3 =	simm.s32 $0x2  }
0x8: {  	[tilespmem:s2], [sflag:$0x2] =	stream.linear.gather [hbm4b:s4+s2], $0x80, $0x38;
	[tilespmem:$0x6100] =	vst v63  }
0x9: {  	_ =	swait.ge [sflag:s3], $0x80  }
0xa: {  	s6 =	simm.s32 $0x80;
	[sflag:s3] =	ssyncset.done $0x0  }
0xb: {  	s7 =	simm.s32 $0x1;
	s5 =	sadd.s32 $0x5800, s9;
	[sflag:s3] =	ssyncadd.s32 $0xFFFFFF80  }
0xc: {  	[tilespmem:s6], [sflag:$0x1] =	stream.indirect.gather [hbm4b:s5+s6], $0x80, s2, s6, $0xb8;
	[tilespmem:$0x6100] =	vst v63  }
0xd: {  	s8 =	smul.u32 $0x1400, s8;
	_ =	swait.ge [sflag:s7], $0x4000  }
0xe: {  	s15 =	sadd.s32 $0x53C00, s9;
	[sflag:s7] =	ssyncset.done $0x0  }
0xf: {  	s8 =	sadd.s32 s15, s8;
	[sflag:s7] =	ssyncadd.s32 $0xFFFFC000  }
0x10: {  	[hbm4b:s8+s2] =	stream.linear.scatter [tilespmem:s6], [sflag:$0x2], $0x4000, $0x38;
	[tilespmem:$0x6100] =	vst v63  }
0x11: {  	s10 =	sadd.s32 $0x80, s11;
	_ =	swait.ge [sflag:s3], $0x4000  }
0x12: {  	s30 =	sshrl.u32 s10, $0x3;
	[sflag:s3] =	ssyncset.done $0x0  }
0x13: {  	s9 =	sadd.s32 s12, s30;
	[sflag:s3] =	ssyncadd.s32 $0xFFFFC000  }
0x14: {  	[tilespmem:s2], [sflag:$0x2] =	stream.linear.gather [hbm4b:s9+s2], $0x80, $0x38;
	[tilespmem:$0x6100] =	vst v63  }
0x15: {  	_ =	swait.ge [sflag:s3], $0x80  }
0x16: {  	[sflag:s3] =	ssyncset.done $0x0  }
0x17: {  	[sflag:s3] =	ssyncadd.s32 $0xFFFFFF80  }
0x18: {  	[tilespmem:s6], [sflag:$0x1] =	stream.indirect.gather [hbm4b:s5+s6], $0x80, s2, s6, $0xb8;
	[tilespmem:$0x6100] =	vst v63  }
0x19: {  	_ =	swait.ge [sflag:s7], $0x4000  }
0x1a: {  	s10 =	sshll.u32 s10, $0x4;
	[sflag:s7] =	ssyncset.done $0x0  }
0x1b: {  	s10 =	sadd.s32 s15, s10;
	[sflag:s7] =	ssyncadd.s32 $0xFFFFC000  }
0x1c: {  	[hbm4b:s10+s2] =	stream.linear.scatter [tilespmem:s6], [sflag:$0x2], $0x4000, $0x38;
	[tilespmem:$0x6100] =	vst v63  }
0x1d: {  	s16 =	sadd.s32 $0x100, s11;
	_ =	swait.ge [sflag:s3], $0x4000  }
0x1e: {  	s17 =	ssub.s32 $0x2, s13;
	s11 =	sshrl.u32 s16, $0x3;
	[sflag:s3] =	ssyncset.done $0x0  }
0x1f: {  	s11 =	sadd.s32 s12, s11;
	s12 =	simm.s32 $0x4080;
	[sflag:s3] =	ssyncadd.s32 $0xFFFFC000  }
0x20: {  	[tilespmem:s12], [sflag:$0x2] =	stream.linear.gather [hbm4b:s11+s2], $0x40, $0x38;
	[tilespmem:$0x6100] =	vst v63  }
0x21: {  	s18 =	sshrl.u32 s17, $0x1;
	_ =	swait.ge [sflag:s3], $0x40  }
0x22: {  	s14 =	simm.s32 $0x4100;
	s17 =	ssub.s32 s17, s18;
	[sflag:s3] =	ssyncset.done $0x0  }
0x23: {  	s13 =	simm.s32 $0x40;
	s31 =	smax.u32 s17, $0x1;
	[sflag:s3] =	ssyncadd.s32 $0xFFFFFFC0  }
0x24: {  	[tilespmem:s14], [sflag:$0x1] =	stream.indirect.gather [hbm4b:s5+s13], $0x80, s12, s13, $0xb8;
	[tilespmem:$0x6100] =	vst v63  }
0x25: {  	p0 =	sne.s32 s31, $0x1;
	_ =	swait.ge [sflag:s7], $0x2000  }
.Ltmp0:
0x26: {  	s16 =	sshll.u32 s16, $0x4;
	[sflag:s7] =	ssyncset.done $0x0;
	(pc) =	sbr.rel @!p0 .LBB2_2-.Ltmp0, $4  }
0x27: {  	s15 =	sadd.s32 s15, s16;
	[sflag:s7] =	ssyncadd.s32 $0xFFFFE000  }
0x28: {  	[hbm4b:s15+s2] =	stream.linear.scatter [tilespmem:s14], [sflag:$0x2], $0x2000, $0x38;
	[tilespmem:$0x6100] =	vst v63  }
0x29: {  	_ =	swait.ge [sflag:s3], $0x2000  }
0x2a: {  	s16 =	sadd.s32 $0xFFFFFFFF, s31;
	[sflag:s3] =	ssyncset.done $0x0  }
.LBB2_1:
0x2b: {  	p0 =	sne.s32 s16, $0x1;
	s16 =	sadd.s32 $0xFFFFFFFF, s16;
	[sflag:s3] =	ssyncadd.s32 $0xFFFFE000  }
0x2c: {  	[tilespmem:s2], [sflag:$0x2] =	stream.linear.gather [hbm4b:s4+s2], $0x80, $0x38;
	[tilespmem:$0x6100] =	vst v63  }
0x2d: {  	_ =	swait.ge [sflag:s3], $0x80  }
0x2e: {  	[sflag:s3] =	ssyncset.done $0x0  }
0x2f: {  	[sflag:s3] =	ssyncadd.s32 $0xFFFFFF80  }
0x30: {  	[tilespmem:s6], [sflag:$0x1] =	stream.indirect.gather [hbm4b:s5+s6], $0x80, s2, s6, $0xb8;
	[tilespmem:$0x6100] =	vst v63  }
0x31: {  	_ =	swait.ge [sflag:s7], $0x4000  }
0x32: {  	[sflag:s7] =	ssyncset.done $0x0  }
0x33: {  	[sflag:s7] =	ssyncadd.s32 $0xFFFFC000  }
0x34: {  	[hbm4b:s8+s2] =	stream.linear.scatter [tilespmem:s6], [sflag:$0x2], $0x4000, $0x38;
	[tilespmem:$0x6100] =	vst v63  }
0x35: {  	_ =	swait.ge [sflag:s3], $0x4000  }
0x36: {  	[sflag:s3] =	ssyncset.done $0x0  }
0x37: {  	[sflag:s3] =	ssyncadd.s32 $0xFFFFC000  }
0x38: {  	[tilespmem:s2], [sflag:$0x2] =	stream.linear.gather [hbm4b:s9+s2], $0x80, $0x38;
	[tilespmem:$0x6100] =	vst v63  }
0x39: {  	_ =	swait.ge [sflag:s3], $0x80  }
0x3a: {  	[sflag:s3] =	ssyncset.done $0x0  }
0x3b: {  	[sflag:s3] =	ssyncadd.s32 $0xFFFFFF80  }
0x3c: {  	[tilespmem:s6], [sflag:$0x1] =	stream.indirect.gather [hbm4b:s5+s6], $0x80, s2, s6, $0xb8;
	[tilespmem:$0x6100] =	vst v63  }
0x3d: {  	_ =	swait.ge [sflag:s7], $0x4000  }
0x3e: {  	[sflag:s7] =	ssyncset.done $0x0  }
0x3f: {  	[sflag:s7] =	ssyncadd.s32 $0xFFFFC000  }
0x40: {  	[hbm4b:s10+s2] =	stream.linear.scatter [tilespmem:s6], [sflag:$0x2], $0x4000, $0x38;
	[tilespmem:$0x6100] =	vst v63  }
0x41: {  	_ =	swait.ge [sflag:s3], $0x4000  }
0x42: {  	[sflag:s3] =	ssyncset.done $0x0  }
0x43: {  	[sflag:s3] =	ssyncadd.s32 $0xFFFFC000  }
0x44: {  	[tilespmem:s12], [sflag:$0x2] =	stream.linear.gather [hbm4b:s11+s2], $0x40, $0x38;
	[tilespmem:$0x6100] =	vst v63  }
0x45: {  	_ =	swait.ge [sflag:s3], $0x40  }
0x46: {  	[sflag:s3] =	ssyncset.done $0x0  }
0x47: {  	[sflag:s3] =	ssyncadd.s32 $0xFFFFFFC0  }
0x48: {  	[tilespmem:s14], [sflag:$0x1] =	stream.indirect.gather [hbm4b:s5+s13], $0x80, s12, s13, $0xb8;
	[tilespmem:$0x6100] =	vst v63  }
0x49: {  	_ =	swait.ge [sflag:s7], $0x2000  }
.Ltmp1:
0x4a: {  	[sflag:s7] =	ssyncset.done $0x0;
	(pc) =	sbr.rel @p0 .LBB2_1-.Ltmp1, $4  }
0x4b: {  	[sflag:s7] =	ssyncadd.s32 $0xFFFFE000  }
0x4c: {  	[hbm4b:s15+s2] =	stream.linear.scatter [tilespmem:s14], [sflag:$0x2], $0x2000, $0x38;
	[tilespmem:$0x6100] =	vst v63  }
0x4d: {  	_ =	swait.ge [sflag:s3], $0x2000  }
0x4e: {  	[sflag:s3] =	ssyncset.done $0x0  }
.LBB2_2:
0x4f: {  	[sflag:s3] =	ssyncadd.s32 $0xFFFFE000  }
0x50: {  	_ =	sfence.sel $0x180000  }
0x51: {  	[bflag:$0x0] =	sbarrier.arrive $0xFFFF  }
0x52: {  	p0 =	sne.s32 s0, $0x0;
	_ =	strace $0x90000047  }
0x53: {  	s0 =	sadd.s32 @!p0 $0x100000, s1;
	[bflag:$0x2] =	sbarrier.arrive $0xFFFF  }
0x54: {  	[sflag:s0] =	ssyncadd.tile.s32 @!p0 $0x1;
	_ =	shalt  }
.Lfunc_end2:
_tile_overlayer_lowered:
.L_overlay_start_2:
0x55: {  	(tag) =	ssettag $0x2  }
0x56: {  	s0 =	rddreg [dreg:$0x0];
	s2 =	stileid.u32  }
0x57: {  	s1 =	rddreg [dreg:$0x1];
	p0 =	sne.s32 s2, $0x0  }
0x58: {  	s3 =	rddreg [dreg:$0x2];
	[bflag:$0x3] =	sbarrier.arrive $0xFFFF;
	s2 =	simm.s32 @!p0 $0x1C02  }
0x59: {  	[timem:s3], [sflag:s2] =	dma.local @!p0 [hbm:s0], s1  }
0x5a: {  	s0 =	simm.s32 @!p0 $0x2  }
0x5b: {  	_ =	swait.ge @!p0 [sflag:s0], s1  }
0x5c: {  	s1 =	ssub.s32 @!p0 $0x0, s1;
	[sflag:s0] =	ssyncset.done @!p0 $0x0  }
0x5d: {  	[sflag:s0] =	ssyncadd.s32 @!p0 s1  }
0x5e: {  	[bflag:$0x3] =	sbarrier.arrive $0xFFFF  }
0x5f: {  	_ =	shalt  }

</sc_bundles>
